<compile_context>
chip_gen: v7x
topology: tpu7x:2x2x1
jax: 0.10.2.dev20260603
libtpu: 0.0.44.dev20260713+nightly
codegen_flags: <defaults>
</compile_context>

<pallas_src>
import functools

import jax
import jax.numpy as jnp
from jax import lax
from jax.experimental import pallas as pl
from jax.experimental.pallas import tpu as pltpu
from jax.experimental.pallas import tpu_sc as plsc

N = 10000
NP = 10240
E = 160000
NC = 2
NS = 16
NW = NC * NS
EW = E // NW
RW = NP // NS
ES = 163840
ET = ES // NS
ACC_R = 10240
RT = N // NS
F1 = 256
F2 = 64
RB = 1000

_mesh = plsc.VectorSubcoreMesh(
    core_axis_name="c", subcore_axis_name="s", num_cores=NC, num_subcores=NS
)

_sc_params = pltpu.CompilerParams(use_tc_tiling_on_sc=False)


@functools.partial(
    pl.kernel,
    out_type=jax.ShapeDtypeStruct((NC * NP,), jnp.float32),
    mesh=_mesh,
    scratch_types=[
        pltpu.VMEM((EW,), jnp.int32),
        pltpu.VMEM((EW + 8,), jnp.float32),
        pltpu.VMEM((RW,), jnp.float32),
        pltpu.VMEM_SHARED((NP,), jnp.float32),
    ],
    compiler_params=_sc_params,
)
def _sc_degree(ei_hbm, out_hbm, idx_v, ones_v, zeros_v, deg_sh):
    c = lax.axis_index("c")
    s = lax.axis_index("s")
    w = s * NC + c
    dst_hbm = ei_hbm.at[1]

    @pl.loop(0, EW + 8, step=16)
    def _(i):
        ones_v[pl.ds(i, 16)] = jnp.full((16,), 1.0, jnp.float32)

    @pl.loop(0, RW, step=16)
    def _(i):
        zeros_v[pl.ds(i, 16)] = jnp.zeros((16,), jnp.float32)

    pltpu.sync_copy(zeros_v, deg_sh.at[pl.ds(s * RW, RW)])
    plsc.subcore_barrier()
    pltpu.sync_copy(dst_hbm.at[pl.ds(w * EW, EW)], idx_v)
    pltpu.sync_copy(ones_v.at[pl.ds(0, EW)], deg_sh.at[idx_v], add=True)
    plsc.subcore_barrier()
    pltpu.sync_copy(
        deg_sh.at[pl.ds(s * RW, RW)], out_hbm.at[pl.ds(c * NP + s * RW, RW)]
    )


def _make_sc_aggregate(fc, ke):
    nwin = ET // ke
    nwt = ES // ke
    nchp = nwin // 8
    assert nwin % 8 == 0 and ke % 8 == 0 and ET % ke == 0

    @functools.partial(
        pl.kernel,
        out_type=jax.ShapeDtypeStruct((NC * N, fc), jnp.float32),
        mesh=_mesh,
        scratch_types=[
            pltpu.VMEM((8, ke), jnp.int32),
            pltpu.VMEM((8, ke), jnp.int32),
            pltpu.VMEM((ke, fc), jnp.float32),
            pltpu.VMEM((ke, fc), jnp.float32),
            pltpu.VMEM_SHARED((ACC_R, fc), jnp.float32),
            pltpu.SemaphoreType.DMA,
            pltpu.SemaphoreType.DMA,
            pltpu.SemaphoreType.DMA,
            pltpu.SemaphoreType.DMA,
            pltpu.SemaphoreType.DMA,
        ],
        compiler_params=_sc_params,
    )
    def agg(y_hbm, sd_hbm, out_hbm, sd_a, sd_b, rows_a, rows_b, acc_sh,
            sem_la, sem_lb, sem_ga, sem_gb, sem_i):
        c = lax.axis_index("c")
        s = lax.axis_index("s")
        row0 = (c * nwt + s * nwin) * 2

        init = pltpu.async_copy(
            y_hbm.at[pl.ds(c * N + s * RT, RT)],
            acc_sh.at[pl.ds(s * RT, RT)],
            sem_i,
        )
        pltpu.sync_copy(sd_hbm.at[pl.ds(row0, 8), :], sd_a)
        pltpu.async_copy(sd_hbm.at[pl.ds(row0 + 8, 8), :], sd_b, sem_lb)
        pltpu.async_copy(y_hbm.at[sd_a.at[0]], rows_a, sem_ga)
        init.wait()
        plsc.subcore_barrier()

        @pl.loop(0, nchp)
        def _(t):
            for w in range(8):
                cur_sd = sd_a if w < 4 else sd_b
                cur_rows = rows_a if w % 2 == 0 else rows_b
                cur_sem = sem_ga if w % 2 == 0 else sem_gb
                nxt_rows = rows_b if w % 2 == 0 else rows_a
                nxt_sem = sem_gb if w % 2 == 0 else sem_ga
                if w < 7:
                    nxt_sd = sd_a if w + 1 < 4 else sd_b
                    if w + 1 == 4:
                        pltpu.make_async_copy(
                            sd_hbm.at[pl.ds(0, 8), :], sd_b, sem_lb
                        ).wait()
                    pltpu.async_copy(
                        y_hbm.at[nxt_sd.at[2 * ((w + 1) % 4)]], nxt_rows, nxt_sem
                    )
                else:
                    @pl.when(t + 1 < nchp)
                    def _():
                        pltpu.make_async_copy(
                            sd_hbm.at[pl.ds(0, 8), :], sd_a, sem_la
                        ).wait()
                        pltpu.async_copy(y_hbm.at[sd_a.at[0]], nxt_rows, nxt_sem)
                pltpu.make_async_copy(
                    y_hbm.at[pl.ds(0, ke)], cur_rows, cur_sem
                ).wait()
                pltpu.sync_copy(
                    cur_rows, acc_sh.at[cur_sd.at[2 * (w % 4) + 1]], add=True
                )
                if w == 3:
                    @pl.when(t + 1 < nchp)
                    def _():
                        pltpu.async_copy(
                            sd_hbm.at[pl.ds(row0 + (2 * t + 2) * 8, 8), :],
                            sd_a, sem_la,
                        )
                if w == 7:
                    @pl.when(t + 1 < nchp)
                    def _():
                        pltpu.async_copy(
                            sd_hbm.at[pl.ds(row0 + (2 * t + 3) * 8, 8), :],
                            sd_b, sem_lb,
                        )

        plsc.subcore_barrier()
        pltpu.sync_copy(
            acc_sh.at[pl.ds(s * RT, RT)],
            out_hbm.at[pl.ds(c * N + s * RT, RT), :],
        )

    return agg


KE1 = 160
KE2 = 1280
_sc_agg1 = _make_sc_aggregate(F1 // 2, KE1)
_sc_agg2 = _make_sc_aggregate(F2 // 2, KE2)


def _make_sd(src, dst, ke):
    pad = jnp.arange(ES - E, dtype=jnp.int32)
    pad_s = (pad * 997) % N
    pad_d = N + pad % (ACC_R - N)
    sw = jnp.concatenate([src, pad_s]).reshape(ES // ke, ke)
    dw = jnp.concatenate([dst, pad_d]).reshape(ES // ke, ke)
    per_core = [
        jnp.stack([sw + c * N, dw], axis=1) for c in range(NC)
    ]
    return jnp.concatenate(per_core).reshape(NC * (ES // ke) * 2, ke)


def _dinv(deg_ref):
    return lax.rsqrt(deg_ref[:, 0] + deg_ref[:, 1] + 1.0)[:, None]


def _dot(a, b):
    return jax.lax.dot(a, b, preferred_element_type=jnp.float32)


def _mm1_body(x_ref, w_ref, deg_ref, o_ref):
    d = _dinv(deg_ref)
    p = _dot(x_ref[...], w_ref[...])
    o_ref[0] = p[:, : F1 // 2] * d
    o_ref[1] = p[:, F1 // 2 :] * d


def _tc_matmul1(x, w1, deg2):
    return pl.pallas_call(
        _mm1_body,
        grid=(N // RB,),
        in_specs=[
            pl.BlockSpec((RB, F1), lambda i: (i, 0)),
            pl.BlockSpec((F1, F1), lambda i: (0, 0)),
            pl.BlockSpec((RB, NC), lambda i: (i, 0)),
        ],
        out_specs=pl.BlockSpec((NC, RB, F1 // 2), lambda i: (0, i, 0)),
        out_shape=jax.ShapeDtypeStruct((NC, N, F1 // 2), jnp.float32),
    )(x, w1, deg2)


def _layer2_body(a_ref, deg_ref, b1_ref, w2_ref, o_ref):
    d = _dinv(deg_ref)
    h0 = jnp.maximum(a_ref[0] * d + b1_ref[0, : F1 // 2], 0.0)
    h1 = jnp.maximum(a_ref[1] * d + b1_ref[0, F1 // 2 :], 0.0)
    y = _dot(h0, w2_ref[: F1 // 2, :]) + _dot(h1, w2_ref[F1 // 2 :, :])
    y = y * d
    o_ref[0] = y[:, : F2 // 2]
    o_ref[1] = y[:, F2 // 2 :]


def _tc_layer2(agg1, deg2, b1, w2):
    return pl.pallas_call(
        _layer2_body,
        grid=(N // RB,),
        in_specs=[
            pl.BlockSpec((NC, RB, F1 // 2), lambda i: (0, i, 0)),
            pl.BlockSpec((RB, NC), lambda i: (i, 0)),
            pl.BlockSpec((1, F1), lambda i: (0, 0)),
            pl.BlockSpec((F1, F2), lambda i: (0, 0)),
        ],
        out_specs=pl.BlockSpec((NC, RB, F2 // 2), lambda i: (0, i, 0)),
        out_shape=jax.ShapeDtypeStruct((NC, N, F2 // 2), jnp.float32),
    )(agg1, deg2, b1, w2)


def _final_body(a_ref, deg_ref, b2_ref, o_ref):
    d = _dinv(deg_ref)
    z = jnp.concatenate([a_ref[0], a_ref[1]], axis=1) * d + b2_ref[0, :]
    m = jnp.max(z, axis=1, keepdims=True)
    e = z - m
    lse = jnp.log(jnp.sum(jnp.exp(e), axis=1, keepdims=True))
    o_ref[...] = e - lse


def _tc_final(agg2, deg2, b2):
    return pl.pallas_call(
        _final_body,
        grid=(N // RB,),
        in_specs=[
            pl.BlockSpec((NC, RB, F2 // 2), lambda i: (0, i, 0)),
            pl.BlockSpec((RB, NC), lambda i: (i, 0)),
            pl.BlockSpec((1, F2), lambda i: (0, 0)),
        ],
        out_specs=pl.BlockSpec((RB, F2), lambda i: (i, 0)),
        out_shape=jax.ShapeDtypeStruct((N, F2), jnp.float32),
    )(agg2, deg2, b2)


@jax.jit
def kernel(X, edge_index, W1, b1, W2, b2):
    src = edge_index[0]
    dst = edge_index[1]
    sd1 = _make_sd(src, dst, KE1)
    sd2 = _make_sd(src, dst, KE2)

    deg2 = _sc_degree(edge_index).reshape(NC, NP)[:, :N].T
    y1 = _tc_matmul1(X, W1, deg2)
    agg1 = _sc_agg1(y1.reshape(NC * N, F1 // 2), sd1).reshape(NC, N, F1 // 2)
    y2 = _tc_layer2(agg1, deg2, b1.reshape(1, F1), W2)
    agg2 = _sc_agg2(y2.reshape(NC * N, F2 // 2), sd2).reshape(NC, N, F2 // 2)
    out = _tc_final(agg2, deg2, b2.reshape(1, F2))
    return out

# --- scband reference (transcript-rebuilt; emitter-appended) ---
"""Pipeline reference for scband-gcn-56014963474996 (READ-ONLY COPY).

The authoritative reference and input builder live on the scoring server;
editing this copy changes nothing except your own understanding.
"""

import jax, jax.numpy as jnp
import numpy as np

N_NODES = 10000


def gcn_conv(x, edge_index, W, b):
    num_nodes = x.shape[0]
    src = edge_index[0]
    dst = edge_index[1]
    # add self-loops (PyG GCNConv default)
    loop = jnp.arange(num_nodes, dtype=edge_index.dtype)
    src = jnp.concatenate([src, loop])
    dst = jnp.concatenate([dst, loop])
    # linear transform first (commutes with aggregation)
    x = x @ W
    # symmetric normalization D^{-1/2} A D^{-1/2}
    deg = jax.ops.segment_sum(jnp.ones_like(dst, dtype=x.dtype), dst, num_segments=num_nodes)
    dinv = jnp.where(deg > 0, deg ** -0.5, 0.0)
    norm = dinv[src] * dinv[dst]
    msg = x[src] * norm[:, None]
    out = jax.ops.segment_sum(msg, dst, num_segments=num_nodes)
    return out + b


def setup_inputs(seed: int = 0) -> dict:
    key = jax.random.key(seed)
    k_x, k_e, k_w1, k_w2 = (jax.random.fold_in(key, i) for i in range(4))
    X = jax.random.normal(k_x, (N_NODES, 256), dtype=jnp.float32)
    edge_index = jax.random.randint(k_e, (2, 160000), 0, N_NODES, dtype=jnp.int64 if jax.config.jax_enable_x64 else jnp.int32).astype(jnp.int32)
    # glorot-like init for GCNConv weights
    W1 = jax.random.normal(k_w1, (256, 256), dtype=jnp.float32) * (1.0 / np.sqrt(256))
    b1 = jnp.zeros((256,), dtype=jnp.float32)
    W2 = jax.random.normal(k_w2, (256, 64), dtype=jnp.float32) * (1.0 / np.sqrt(256))
    b2 = jnp.zeros((64,), dtype=jnp.float32)
    return {"X": X, "edge_index": edge_index, "W1": W1, "b1": b1, "W2": W2, "b2": b2}


def reference(X, edge_index, W1, b1, W2, b2):
    h = jax.nn.relu(gcn_conv(X, edge_index, W1, b1))
    out = gcn_conv(h, edge_index, W2, b2)
    return jax.nn.log_softmax(out, axis=1)

if __name__ == "__main__":
    import jax
    _d = setup_inputs()
    print(jax.jit(kernel)(*tuple(_d.values())))

</pallas_src>

<mosaic_0001>
#map = affine_map<(d0, d1) -> (0, 0)>
module attributes {stable_mosaic.version = 14 : i64} {
  func.func @agg(%arg0: i32, %arg1: i32, %arg2: memref<20000x32xf32, #tpu.memory_space<hbm>>, %arg3: memref<512x1280xi32, #tpu.memory_space<hbm>>, %arg4: memref<20000x32xf32, #tpu.memory_space<hbm>>, %arg5: memref<8x1280xi32, #tpu.memory_space<vmem>>, %arg6: memref<8x1280xi32, #tpu.memory_space<vmem>>, %arg7: memref<1280x32xf32, #tpu.memory_space<vmem>>, %arg8: memref<1280x32xf32, #tpu.memory_space<vmem>>, %arg9: memref<10240x32xf32, #tpu.memory_space<vmem_shared>>, %arg10: memref<!tpu.dma_semaphore, #tpu.memory_space<semaphore_mem>>, %arg11: memref<!tpu.dma_semaphore, #tpu.memory_space<semaphore_mem>>, %arg12: memref<!tpu.dma_semaphore, #tpu.memory_space<semaphore_mem>>, %arg13: memref<!tpu.dma_semaphore, #tpu.memory_space<semaphore_mem>>, %arg14: memref<!tpu.dma_semaphore, #tpu.memory_space<semaphore_mem>>) attributes {dimension_semantics = [#tpu.dimension_semantics<core_parallel>, #tpu.dimension_semantics<subcore_parallel>], iteration_bounds = array<i64: 2, 16>, scalar_prefetch = 0 : i64, scratch_operands = 10 : i64, tpu.core_type = #tpu.core_type<sc_vector_subcore>, window_params = [{transform_indices = #map}, {transform_indices = #map}, {transform_indices = #map}]} {
    %mul3A = arith.constant 128 : i32
    %mul3A_0 = arith.muli %arg0, %mul3A : i32
    %mul3A_1 = arith.constant 8 : i32
    %mul3A_2 = arith.muli %arg1, %mul3A_1 : i32
    %add3A = arith.addi %mul3A_0, %mul3A_2 : i32
    %mul3A_3 = arith.constant 2 : i32
    %mul3A_4 = arith.muli %add3A, %mul3A_3 : i32
    %mul3A_5 = arith.constant 10000 : i32
    %mul3A_6 = arith.muli %arg0, %mul3A_5 : i32
    %mul3A_7 = arith.constant 625 : i32
    %mul3A_8 = arith.muli %arg1, %mul3A_7 : i32
    %add3A_9 = arith.addi %mul3A_6, %mul3A_8 : i32
    %mul3A_10 = arith.constant 625 : i32
    %mul3A_11 = arith.muli %arg1, %mul3A_10 : i32
    %dma_start3A = arith.constant 0 : i32
    %dma_start3A_12 = tpu.memref_slice %arg9[%mul3A_11, %dma_start3A] : memref<10240x32xf32, #tpu.memory_space<vmem_shared>> -> memref<625x32xf32, #tpu.memory_space<vmem_shared>>
    %dma_start3A_13 = arith.constant 0 : i32
    %dma_start3A_14 = tpu.memref_slice %arg2[%add3A_9, %dma_start3A_13] : memref<20000x32xf32, #tpu.memory_space<hbm>> -> memref<625x32xf32, #tpu.memory_space<hbm>>
    tpu.enqueue_dma source(%dma_start3A_14 : memref<625x32xf32, #tpu.memory_space<hbm>>) target(%dma_start3A_12 : memref<625x32xf32, #tpu.memory_space<vmem_shared>>) target_semaphore(%arg14 : memref<!tpu.dma_semaphore, #tpu.memory_space<semaphore_mem>>)
    "tpu.region"() ({
      %run_scoped3A_172 = tpu.sem_alloc : memref<!tpu.dma_semaphore, #tpu.memory_space<semaphore_mem>>
      %dma_start3A_173 = arith.constant 0 : i32
      %dma_start3A_174 = tpu.memref_slice %arg3[%mul3A_4, %dma_start3A_173] : memref<512x1280xi32, #tpu.memory_space<hbm>> -> memref<8x1280xi32, #tpu.memory_space<hbm>>
      %dma_start3A_175 = arith.constant 0 : i32
      %dma_start3A_176 = tpu.memref_slice %arg3[%mul3A_4, %dma_start3A_175] : memref<512x1280xi32, #tpu.memory_space<hbm>> -> memref<8x1280xi32, #tpu.memory_space<hbm>>
      tpu.enqueue_dma source(%dma_start3A_176 : memref<8x1280xi32, #tpu.memory_space<hbm>>) target(%arg5 : memref<8x1280xi32, #tpu.memory_space<vmem>>) target_semaphore(%run_scoped3A_172 : memref<!tpu.dma_semaphore, #tpu.memory_space<semaphore_mem>>)
      %dma_wait3A_177 = arith.constant 0 : i32
      %dma_wait3A_178 = tpu.memref_slice %arg3[%mul3A_4, %dma_wait3A_177] : memref<512x1280xi32, #tpu.memory_space<hbm>> -> memref<8x1280xi32, #tpu.memory_space<hbm>>
      %dma_wait3A_179 = arith.constant 0 : i32
      %dma_wait3A_180 = tpu.memref_slice %arg3[%mul3A_4, %dma_wait3A_179] : memref<512x1280xi32, #tpu.memory_space<hbm>> -> memref<8x1280xi32, #tpu.memory_space<hbm>>
      tpu.wait_dma2 semaphore(%run_scoped3A_172 : memref<!tpu.dma_semaphore, #tpu.memory_space<semaphore_mem>>) src(%dma_wait3A_180 : memref<8x1280xi32, #tpu.memory_space<hbm>>) dst(%arg5 : memref<8x1280xi32, #tpu.memory_space<vmem>>)
      tpu.yield
    }) : () -> ()
    %add3A_15 = arith.constant 8 : i32
    %add3A_16 = arith.addi %mul3A_4, %add3A_15 : i32
    %dma_start3A_17 = arith.constant 0 : i32
    %dma_start3A_18 = tpu.memref_slice %arg3[%add3A_16, %dma_start3A_17] : memref<512x1280xi32, #tpu.memory_space<hbm>> -> memref<8x1280xi32, #tpu.memory_space<hbm>>
    %dma_start3A_19 = arith.constant 0 : i32
    %dma_start3A_20 = tpu.memref_slice %arg3[%add3A_16, %dma_start3A_19] : memref<512x1280xi32, #tpu.memory_space<hbm>> -> memref<8x1280xi32, #tpu.memory_space<hbm>>
    tpu.enqueue_dma source(%dma_start3A_20 : memref<8x1280xi32, #tpu.memory_space<hbm>>) target(%arg6 : memref<8x1280xi32, #tpu.memory_space<vmem>>) target_semaphore(%arg11 : memref<!tpu.dma_semaphore, #tpu.memory_space<semaphore_mem>>)
    %dma_start3A_21 = arith.constant 0 : i32
    %dma_start3A_22 = arith.constant 0 : i32
    %dma_start3A_23 = tpu.memref_slice %arg5[%dma_start3A_21, %dma_start3A_22] : memref<8x1280xi32, #tpu.memory_space<vmem>> -> memref<1x1280xi32, #tpu.memory_space<vmem>>
    %dma_start3A_24 = tpu.memref_squeeze %dma_start3A_23 : memref<1x1280xi32, #tpu.memory_space<vmem>> -> memref<1280xi32, #tpu.memory_space<vmem>>
    %dma_start3A_25 = arith.constant 0 : i32
    %dma_start3A_26 = arith.constant 0 : i32
    %dma_start3A_27 = tpu.memref_slice %arg2[%dma_start3A_25, %dma_start3A_26] : memref<20000x32xf32, #tpu.memory_space<hbm>> -> memref<20000x32xf32, #tpu.memory_space<hbm>>
    tpu.enqueue_indirect_dma source(%dma_start3A_27 : memref<20000x32xf32, #tpu.memory_space<hbm>>) target(%arg7 : memref<1280x32xf32, #tpu.memory_space<vmem>>) offsets(%dma_start3A_24 : memref<1280xi32, #tpu.memory_space<vmem>>) semaphore(%arg12 : memref<!tpu.dma_semaphore, #tpu.memory_space<semaphore_mem>>)
    %dma_wait3A = arith.constant 0 : i32
    %dma_wait3A_28 = tpu.memref_slice %arg9[%mul3A_11, %dma_wait3A] : memref<10240x32xf32, #tpu.memory_space<vmem_shared>> -> memref<625x32xf32, #tpu.memory_space<vmem_shared>>
    %dma_wait3A_29 = arith.constant 0 : i32
    %dma_wait3A_30 = tpu.memref_slice %arg2[%add3A_9, %dma_wait3A_29] : memref<20000x32xf32, #tpu.memory_space<hbm>> -> memref<625x32xf32, #tpu.memory_space<hbm>>
    tpu.wait_dma2 semaphore(%arg14 : memref<!tpu.dma_semaphore, #tpu.memory_space<semaphore_mem>>) src(%dma_wait3A_30 : memref<625x32xf32, #tpu.memory_space<hbm>>) dst(%dma_wait3A_28 : memref<625x32xf32, #tpu.memory_space<vmem_shared>>)
    %barrier3A = arith.constant 0 : index
    tpu.barrier barrier_id(%barrier3A)
    %scan3A = arith.constant 0 : i32
    %mul3A_31 = arith.constant 1 : i32
    %mul3A_32 = arith.muli %scan3A, %mul3A_31 : i32
    %add3A_33 = arith.constant 0 : i32
    %add3A_34 = arith.addi %add3A_33, %mul3A_32 : i32
    %dma_start3A_35 = arith.constant 2 : i32
    %dma_start3A_36 = arith.constant 0 : i32
    %dma_start3A_37 = tpu.memref_slice %arg5[%dma_start3A_35, %dma_start3A_36] : memref<8x1280xi32, #tpu.memory_space<vmem>> -> memref<1x1280xi32, #tpu.memory_space<vmem>>
    %dma_start3A_38 = tpu.memref_squeeze %dma_start3A_37 : memref<1x1280xi32, #tpu.memory_space<vmem>> -> memref<1280xi32, #tpu.memory_space<vmem>>
    %dma_start3A_39 = arith.constant 0 : i32
    %dma_start3A_40 = arith.constant 0 : i32
    %dma_start3A_41 = tpu.memref_slice %arg2[%dma_start3A_39, %dma_start3A_40] : memref<20000x32xf32, #tpu.memory_space<hbm>> -> memref<20000x32xf32, #tpu.memory_space<hbm>>
    tpu.enqueue_indirect_dma source(%dma_start3A_41 : memref<20000x32xf32, #tpu.memory_space<hbm>>) target(%arg8 : memref<1280x32xf32, #tpu.memory_space<vmem>>) offsets(%dma_start3A_38 : memref<1280xi32, #tpu.memory_space<vmem>>) semaphore(%arg13 : memref<!tpu.dma_semaphore, #tpu.memory_space<semaphore_mem>>)
    %dma_wait3A_42 = arith.constant 0 : i32
    %dma_wait3A_43 = arith.constant 0 : i32
    %dma_wait3A_44 = tpu.memref_slice %arg2[%dma_wait3A_42, %dma_wait3A_43] : memref<20000x32xf32, #tpu.memory_space<hbm>> -> memref<1280x32xf32, #tpu.memory_space<hbm>>
    %dma_wait3A_45 = arith.constant 0 : i32
    %dma_wait3A_46 = arith.constant 0 : i32
    %dma_wait3A_47 = tpu.memref_slice %arg2[%dma_wait3A_45, %dma_wait3A_46] : memref<20000x32xf32, #tpu.memory_space<hbm>> -> memref<1280x32xf32, #tpu.memory_space<hbm>>
    tpu.wait_dma2 semaphore(%arg12 : memref<!tpu.dma_semaphore, #tpu.memory_space<semaphore_mem>>) src(%dma_wait3A_47 : memref<1280x32xf32, #tpu.memory_space<hbm>>) dst(%arg7 : memref<1280x32xf32, #tpu.memory_space<vmem>>)
    %run_scoped3A = arith.constant 1 : i32
    "tpu.region"() ({
      %run_scoped3A_172 = tpu.sem_alloc : memref<!tpu.dma_semaphore, #tpu.memory_space<semaphore_mem>>
      %dma_start3A_173 = arith.constant 0 : i32
      %dma_start3A_174 = tpu.memref_slice %arg5[%run_scoped3A, %dma_start3A_173] : memref<8x1280xi32, #tpu.memory_space<vmem>> -> memref<1x1280xi32, #tpu.memory_space<vmem>>
      %dma_start3A_175 = tpu.memref_squeeze %dma_start3A_174 : memref<1x1280xi32, #tpu.memory_space<vmem>> -> memref<1280xi32, #tpu.memory_space<vmem>>
      %dma_start3A_176 = arith.constant 0 : i32
      %dma_start3A_177 = arith.constant 0 : i32
      %dma_start3A_178 = tpu.memref_slice %arg9[%dma_start3A_176, %dma_start3A_177] : memref<10240x32xf32, #tpu.memory_space<vmem_shared>> -> memref<10240x32xf32, #tpu.memory_space<vmem_shared>>
      tpu.enqueue_indirect_dma source(%arg7 : memref<1280x32xf32, #tpu.memory_space<vmem>>) target(%dma_start3A_178 : memref<10240x32xf32, #tpu.memory_space<vmem_shared>>) offsets(%dma_start3A_175 : memref<1280xi32, #tpu.memory_space<vmem>>) semaphore(%run_scoped3A_172 : memref<!tpu.dma_semaphore, #tpu.memory_space<semaphore_mem>>) {add = true}
      %dma_wait3A_179 = arith.constant 0 : i32
      %dma_wait3A_180 = tpu.memref_slice %arg5[%run_scoped3A, %dma_wait3A_179] : memref<8x1280xi32, #tpu.memory_space<vmem>> -> memref<1x1280xi32, #tpu.memory_space<vmem>>
      %dma_wait3A_181 = tpu.memref_squeeze %dma_wait3A_180 : memref<1x1280xi32, #tpu.memory_space<vmem>> -> memref<1280xi32, #tpu.memory_space<vmem>>
      %dma_wait3A_182 = arith.constant 0 : i32
      %dma_wait3A_183 = arith.constant 0 : i32
      %dma_wait3A_184 = tpu.memref_slice %arg9[%dma_wait3A_182, %dma_wait3A_183] : memref<10240x32xf32, #tpu.memory_space<vmem_shared>> -> memref<10240x32xf32, #tpu.memory_space<vmem_shared>>
      tpu.wait_indirect_dma semaphore(%run_scoped3A_172 : memref<!tpu.dma_semaphore, #tpu.memory_space<semaphore_mem>>) src(%arg7 : memref<1280x32xf32, #tpu.memory_space<vmem>>) dst(%dma_wait3A_184 : memref<10240x32xf32, #tpu.memory_space<vmem_shared>>)
      tpu.yield
    }) : () -> ()
    %dma_start3A_48 = arith.constant 4 : i32
    %dma_start3A_49 = arith.constant 0 : i32
    %dma_start3A_50 = tpu.memref_slice %arg5[%dma_start3A_48, %dma_start3A_49] : memref<8x1280xi32, #tpu.memory_space<vmem>> -> memref<1x1280xi32, #tpu.memory_space<vmem>>
    %dma_start3A_51 = tpu.memref_squeeze %dma_start3A_50 : memref<1x1280xi32, #tpu.memory_space<vmem>> -> memref<1280xi32, #tpu.memory_space<vmem>>
    %dma_start3A_52 = arith.constant 0 : i32
    %dma_start3A_53 = arith.constant 0 : i32
    %dma_start3A_54 = tpu.memref_slice %arg2[%dma_start3A_52, %dma_start3A_53] : memref<20000x32xf32, #tpu.memory_space<hbm>> -> memref<20000x32xf32, #tpu.memory_space<hbm>>
    tpu.enqueue_indirect_dma source(%dma_start3A_54 : memref<20000x32xf32, #tpu.memory_space<hbm>>) target(%arg7 : memref<1280x32xf32, #tpu.memory_space<vmem>>) offsets(%dma_start3A_51 : memref<1280xi32, #tpu.memory_space<vmem>>) semaphore(%arg12 : memref<!tpu.dma_semaphore, #tpu.memory_space<semaphore_mem>>)
    %dma_wait3A_55 = arith.constant 0 : i32
    %dma_wait3A_56 = arith.constant 0 : i32
    %dma_wait3A_57 = tpu.memref_slice %arg2[%dma_wait3A_55, %dma_wait3A_56] : memref<20000x32xf32, #tpu.memory_space<hbm>> -> memref<1280x32xf32, #tpu.memory_space<hbm>>
    %dma_wait3A_58 = arith.constant 0 : i32
    %dma_wait3A_59 = arith.constant 0 : i32
    %dma_wait3A_60 = tpu.memref_slice %arg2[%dma_wait3A_58, %dma_wait3A_59] : memref<20000x32xf32, #tpu.memory_space<hbm>> -> memref<1280x32xf32, #tpu.memory_space<hbm>>
    tpu.wait_dma2 semaphore(%arg13 : memref<!tpu.dma_semaphore, #tpu.memory_space<semaphore_mem>>) src(%dma_wait3A_60 : memref<1280x32xf32, #tpu.memory_space<hbm>>) dst(%arg8 : memref<1280x32xf32, #tpu.memory_space<vmem>>)
    %run_scoped3A_61 = arith.constant 3 : i32
    "tpu.region"() ({
      %run_scoped3A_172 = tpu.sem_alloc : memref<!tpu.dma_semaphore, #tpu.memory_space<semaphore_mem>>
      %dma_start3A_173 = arith.constant 0 : i32
      %dma_start3A_174 = tpu.memref_slice %arg5[%run_scoped3A_61, %dma_start3A_173] : memref<8x1280xi32, #tpu.memory_space<vmem>> -> memref<1x1280xi32, #tpu.memory_space<vmem>>
      %dma_start3A_175 = tpu.memref_squeeze %dma_start3A_174 : memref<1x1280xi32, #tpu.memory_space<vmem>> -> memref<1280xi32, #tpu.memory_space<vmem>>
      %dma_start3A_176 = arith.constant 0 : i32
      %dma_start3A_177 = arith.constant 0 : i32
      %dma_start3A_178 = tpu.memref_slice %arg9[%dma_start3A_176, %dma_start3A_177] : memref<10240x32xf32, #tpu.memory_space<vmem_shared>> -> memref<10240x32xf32, #tpu.memory_space<vmem_shared>>
      tpu.enqueue_indirect_dma source(%arg8 : memref<1280x32xf32, #tpu.memory_space<vmem>>) target(%dma_start3A_178 : memref<10240x32xf32, #tpu.memory_space<vmem_shared>>) offsets(%dma_start3A_175 : memref<1280xi32, #tpu.memory_space<vmem>>) semaphore(%run_scoped3A_172 : memref<!tpu.dma_semaphore, #tpu.memory_space<semaphore_mem>>) {add = true}
      %dma_wait3A_179 = arith.constant 0 : i32
      %dma_wait3A_180 = tpu.memref_slice %arg5[%run_scoped3A_61, %dma_wait3A_179] : memref<8x1280xi32, #tpu.memory_space<vmem>> -> memref<1x1280xi32, #tpu.memory_space<vmem>>
      %dma_wait3A_181 = tpu.memref_squeeze %dma_wait3A_180 : memref<1x1280xi32, #tpu.memory_space<vmem>> -> memref<1280xi32, #tpu.memory_space<vmem>>
      %dma_wait3A_182 = arith.constant 0 : i32
      %dma_wait3A_183 = arith.constant 0 : i32
      %dma_wait3A_184 = tpu.memref_slice %arg9[%dma_wait3A_182, %dma_wait3A_183] : memref<10240x32xf32, #tpu.memory_space<vmem_shared>> -> memref<10240x32xf32, #tpu.memory_space<vmem_shared>>
      tpu.wait_indirect_dma semaphore(%run_scoped3A_172 : memref<!tpu.dma_semaphore, #tpu.memory_space<semaphore_mem>>) src(%arg8 : memref<1280x32xf32, #tpu.memory_space<vmem>>) dst(%dma_wait3A_184 : memref<10240x32xf32, #tpu.memory_space<vmem_shared>>)
      tpu.yield
    }) : () -> ()
    %dma_start3A_62 = arith.constant 6 : i32
    %dma_start3A_63 = arith.constant 0 : i32
    %dma_start3A_64 = tpu.memref_slice %arg5[%dma_start3A_62, %dma_start3A_63] : memref<8x1280xi32, #tpu.memory_space<vmem>> -> memref<1x1280xi32, #tpu.memory_space<vmem>>
    %dma_start3A_65 = tpu.memref_squeeze %dma_start3A_64 : memref<1x1280xi32, #tpu.memory_space<vmem>> -> memref<1280xi32, #tpu.memory_space<vmem>>
    %dma_start3A_66 = arith.constant 0 : i32
    %dma_start3A_67 = arith.constant 0 : i32
    %dma_start3A_68 = tpu.memref_slice %arg2[%dma_start3A_66, %dma_start3A_67] : memref<20000x32xf32, #tpu.memory_space<hbm>> -> memref<20000x32xf32, #tpu.memory_space<hbm>>
    tpu.enqueue_indirect_dma source(%dma_start3A_68 : memref<20000x32xf32, #tpu.memory_space<hbm>>) target(%arg8 : memref<1280x32xf32, #tpu.memory_space<vmem>>) offsets(%dma_start3A_65 : memref<1280xi32, #tpu.memory_space<vmem>>) semaphore(%arg13 : memref<!tpu.dma_semaphore, #tpu.memory_space<semaphore_mem>>)
    %dma_wait3A_69 = arith.constant 0 : i32
    %dma_wait3A_70 = arith.constant 0 : i32
    %dma_wait3A_71 = tpu.memref_slice %arg2[%dma_wait3A_69, %dma_wait3A_70] : memref<20000x32xf32, #tpu.memory_space<hbm>> -> memref<1280x32xf32, #tpu.memory_space<hbm>>
    %dma_wait3A_72 = arith.constant 0 : i32
    %dma_wait3A_73 = arith.constant 0 : i32
    %dma_wait3A_74 = tpu.memref_slice %arg2[%dma_wait3A_72, %dma_wait3A_73] : memref<20000x32xf32, #tpu.memory_space<hbm>> -> memref<1280x32xf32, #tpu.memory_space<hbm>>
    tpu.wait_dma2 semaphore(%arg12 : memref<!tpu.dma_semaphore, #tpu.memory_space<semaphore_mem>>) src(%dma_wait3A_74 : memref<1280x32xf32, #tpu.memory_space<hbm>>) dst(%arg7 : memref<1280x32xf32, #tpu.memory_space<vmem>>)
    %run_scoped3A_75 = arith.constant 5 : i32
    "tpu.region"() ({
      %run_scoped3A_172 = tpu.sem_alloc : memref<!tpu.dma_semaphore, #tpu.memory_space<semaphore_mem>>
      %dma_start3A_173 = arith.constant 0 : i32
      %dma_start3A_174 = tpu.memref_slice %arg5[%run_scoped3A_75, %dma_start3A_173] : memref<8x1280xi32, #tpu.memory_space<vmem>> -> memref<1x1280xi32, #tpu.memory_space<vmem>>
      %dma_start3A_175 = tpu.memref_squeeze %dma_start3A_174 : memref<1x1280xi32, #tpu.memory_space<vmem>> -> memref<1280xi32, #tpu.memory_space<vmem>>
      %dma_start3A_176 = arith.constant 0 : i32
      %dma_start3A_177 = arith.constant 0 : i32
      %dma_start3A_178 = tpu.memref_slice %arg9[%dma_start3A_176, %dma_start3A_177] : memref<10240x32xf32, #tpu.memory_space<vmem_shared>> -> memref<10240x32xf32, #tpu.memory_space<vmem_shared>>
      tpu.enqueue_indirect_dma source(%arg7 : memref<1280x32xf32, #tpu.memory_space<vmem>>) target(%dma_start3A_178 : memref<10240x32xf32, #tpu.memory_space<vmem_shared>>) offsets(%dma_start3A_175 : memref<1280xi32, #tpu.memory_space<vmem>>) semaphore(%run_scoped3A_172 : memref<!tpu.dma_semaphore, #tpu.memory_space<semaphore_mem>>) {add = true}
      %dma_wait3A_179 = arith.constant 0 : i32
      %dma_wait3A_180 = tpu.memref_slice %arg5[%run_scoped3A_75, %dma_wait3A_179] : memref<8x1280xi32, #tpu.memory_space<vmem>> -> memref<1x1280xi32, #tpu.memory_space<vmem>>
      %dma_wait3A_181 = tpu.memref_squeeze %dma_wait3A_180 : memref<1x1280xi32, #tpu.memory_space<vmem>> -> memref<1280xi32, #tpu.memory_space<vmem>>
      %dma_wait3A_182 = arith.constant 0 : i32
      %dma_wait3A_183 = arith.constant 0 : i32
      %dma_wait3A_184 = tpu.memref_slice %arg9[%dma_wait3A_182, %dma_wait3A_183] : memref<10240x32xf32, #tpu.memory_space<vmem_shared>> -> memref<10240x32xf32, #tpu.memory_space<vmem_shared>>
      tpu.wait_indirect_dma semaphore(%run_scoped3A_172 : memref<!tpu.dma_semaphore, #tpu.memory_space<semaphore_mem>>) src(%arg7 : memref<1280x32xf32, #tpu.memory_space<vmem>>) dst(%dma_wait3A_184 : memref<10240x32xf32, #tpu.memory_space<vmem_shared>>)
      tpu.yield
    }) : () -> ()
    %dma_wait3A_76 = arith.constant 0 : i32
    %dma_wait3A_77 = arith.constant 0 : i32
    %dma_wait3A_78 = tpu.memref_slice %arg3[%dma_wait3A_76, %dma_wait3A_77] : memref<512x1280xi32, #tpu.memory_space<hbm>> -> memref<8x1280xi32, #tpu.memory_space<hbm>>
    %dma_wait3A_79 = arith.constant 0 : i32
    %dma_wait3A_80 = arith.constant 0 : i32
    %dma_wait3A_81 = tpu.memref_slice %arg3[%dma_wait3A_79, %dma_wait3A_80] : memref<512x1280xi32, #tpu.memory_space<hbm>> -> memref<8x1280xi32, #tpu.memory_space<hbm>>
    tpu.wait_dma2 semaphore(%arg11 : memref<!tpu.dma_semaphore, #tpu.memory_space<semaphore_mem>>) src(%dma_wait3A_81 : memref<8x1280xi32, #tpu.memory_space<hbm>>) dst(%arg6 : memref<8x1280xi32, #tpu.memory_space<vmem>>)
    %dma_start3A_82 = arith.constant 0 : i32
    %dma_start3A_83 = arith.constant 0 : i32
    %dma_start3A_84 = tpu.memref_slice %arg6[%dma_start3A_82, %dma_start3A_83] : memref<8x1280xi32, #tpu.memory_space<vmem>> -> memref<1x1280xi32, #tpu.memory_space<vmem>>
    %dma_start3A_85 = tpu.memref_squeeze %dma_start3A_84 : memref<1x1280xi32, #tpu.memory_space<vmem>> -> memref<1280xi32, #tpu.memory_space<vmem>>
    %dma_start3A_86 = arith.constant 0 : i32
    %dma_start3A_87 = arith.constant 0 : i32
    %dma_start3A_88 = tpu.memref_slice %arg2[%dma_start3A_86, %dma_start3A_87] : memref<20000x32xf32, #tpu.memory_space<hbm>> -> memref<20000x32xf32, #tpu.memory_space<hbm>>
    tpu.enqueue_indirect_dma source(%dma_start3A_88 : memref<20000x32xf32, #tpu.memory_space<hbm>>) target(%arg7 : memref<1280x32xf32, #tpu.memory_space<vmem>>) offsets(%dma_start3A_85 : memref<1280xi32, #tpu.memory_space<vmem>>) semaphore(%arg12 : memref<!tpu.dma_semaphore, #tpu.memory_space<semaphore_mem>>)
    %dma_wait3A_89 = arith.constant 0 : i32
    %dma_wait3A_90 = arith.constant 0 : i32
    %dma_wait3A_91 = tpu.memref_slice %arg2[%dma_wait3A_89, %dma_wait3A_90] : memref<20000x32xf32, #tpu.memory_space<hbm>> -> memref<1280x32xf32, #tpu.memory_space<hbm>>
    %dma_wait3A_92 = arith.constant 0 : i32
    %dma_wait3A_93 = arith.constant 0 : i32
    %dma_wait3A_94 = tpu.memref_slice %arg2[%dma_wait3A_92, %dma_wait3A_93] : memref<20000x32xf32, #tpu.memory_space<hbm>> -> memref<1280x32xf32, #tpu.memory_space<hbm>>
    tpu.wait_dma2 semaphore(%arg13 : memref<!tpu.dma_semaphore, #tpu.memory_space<semaphore_mem>>) src(%dma_wait3A_94 : memref<1280x32xf32, #tpu.memory_space<hbm>>) dst(%arg8 : memref<1280x32xf32, #tpu.memory_space<vmem>>)
    %run_scoped3A_95 = arith.constant 7 : i32
    "tpu.region"() ({
      %run_scoped3A_172 = tpu.sem_alloc : memref<!tpu.dma_semaphore, #tpu.memory_space<semaphore_mem>>
      %dma_start3A_173 = arith.constant 0 : i32
      %dma_start3A_174 = tpu.memref_slice %arg5[%run_scoped3A_95, %dma_start3A_173] : memref<8x1280xi32, #tpu.memory_space<vmem>> -> memref<1x1280xi32, #tpu.memory_space<vmem>>
      %dma_start3A_175 = tpu.memref_squeeze %dma_start3A_174 : memref<1x1280xi32, #tpu.memory_space<vmem>> -> memref<1280xi32, #tpu.memory_space<vmem>>
      %dma_start3A_176 = arith.constant 0 : i32
      %dma_start3A_177 = arith.constant 0 : i32
      %dma_start3A_178 = tpu.memref_slice %arg9[%dma_start3A_176, %dma_start3A_177] : memref<10240x32xf32, #tpu.memory_space<vmem_shared>> -> memref<10240x32xf32, #tpu.memory_space<vmem_shared>>
      tpu.enqueue_indirect_dma source(%arg8 : memref<1280x32xf32, #tpu.memory_space<vmem>>) target(%dma_start3A_178 : memref<10240x32xf32, #tpu.memory_space<vmem_shared>>) offsets(%dma_start3A_175 : memref<1280xi32, #tpu.memory_space<vmem>>) semaphore(%run_scoped3A_172 : memref<!tpu.dma_semaphore, #tpu.memory_space<semaphore_mem>>) {add = true}
      %dma_wait3A_179 = arith.constant 0 : i32
      %dma_wait3A_180 = tpu.memref_slice %arg5[%run_scoped3A_95, %dma_wait3A_179] : memref<8x1280xi32, #tpu.memory_space<vmem>> -> memref<1x1280xi32, #tpu.memory_space<vmem>>
      %dma_wait3A_181 = tpu.memref_squeeze %dma_wait3A_180 : memref<1x1280xi32, #tpu.memory_space<vmem>> -> memref<1280xi32, #tpu.memory_space<vmem>>
      %dma_wait3A_182 = arith.constant 0 : i32
      %dma_wait3A_183 = arith.constant 0 : i32
      %dma_wait3A_184 = tpu.memref_slice %arg9[%dma_wait3A_182, %dma_wait3A_183] : memref<10240x32xf32, #tpu.memory_space<vmem_shared>> -> memref<10240x32xf32, #tpu.memory_space<vmem_shared>>
      tpu.wait_indirect_dma semaphore(%run_scoped3A_172 : memref<!tpu.dma_semaphore, #tpu.memory_space<semaphore_mem>>) src(%arg8 : memref<1280x32xf32, #tpu.memory_space<vmem>>) dst(%dma_wait3A_184 : memref<10240x32xf32, #tpu.memory_space<vmem_shared>>)
      tpu.yield
    }) : () -> ()
    %add3A_96 = arith.constant 1 : i32
    %add3A_97 = arith.addi %add3A_34, %add3A_96 : i32
    %lt3A = arith.constant 1 : i32
    %lt3A_98 = arith.cmpi slt, %add3A_97, %lt3A : i32
    %convert_element_type3A = arith.extui %lt3A_98 : i1 to i32
    %cond3A = arith.constant 0 : i32
    %cond3A_99 = arith.cmpi ne, %convert_element_type3A, %cond3A : i32
    scf.if %cond3A_99 {
      %mul3A_172 = arith.constant 2 : i32
      %mul3A_173 = arith.muli %mul3A_172, %add3A_34 : i32
      %add3A_174 = arith.constant 2 : i32
      %add3A_175 = arith.addi %mul3A_173, %add3A_174 : i32
      %mul3A_176 = arith.constant 8 : i32
      %mul3A_177 = arith.muli %add3A_175, %mul3A_176 : i32
      %add3A_178 = arith.addi %mul3A_4, %mul3A_177 : i32
      %dma_start3A_179 = arith.constant 0 : i32
      %dma_start3A_180 = tpu.memref_slice %arg3[%add3A_178, %dma_start3A_179] : memref<512x1280xi32, #tpu.memory_space<hbm>> -> memref<8x1280xi32, #tpu.memory_space<hbm>>
      %dma_start3A_181 = arith.constant 0 : i32
      %dma_start3A_182 = tpu.memref_slice %arg3[%add3A_178, %dma_start3A_181] : memref<512x1280xi32, #tpu.memory_space<hbm>> -> memref<8x1280xi32, #tpu.memory_space<hbm>>
      tpu.enqueue_dma source(%dma_start3A_182 : memref<8x1280xi32, #tpu.memory_space<hbm>>) target(%arg5 : memref<8x1280xi32, #tpu.memory_space<vmem>>) target_semaphore(%arg10 : memref<!tpu.dma_semaphore, #tpu.memory_space<semaphore_mem>>)
    } else {
    }
    %dma_start3A_100 = arith.constant 2 : i32
    %dma_start3A_101 = arith.constant 0 : i32
    %dma_start3A_102 = tpu.memref_slice %arg6[%dma_start3A_100, %dma_start3A_101] : memref<8x1280xi32, #tpu.memory_space<vmem>> -> memref<1x1280xi32, #tpu.memory_space<vmem>>
    %dma_start3A_103 = tpu.memref_squeeze %dma_start3A_102 : memref<1x1280xi32, #tpu.memory_space<vmem>> -> memref<1280xi32, #tpu.memory_space<vmem>>
    %dma_start3A_104 = arith.constant 0 : i32
    %dma_start3A_105 = arith.constant 0 : i32
    %dma_start3A_106 = tpu.memref_slice %arg2[%dma_start3A_104, %dma_start3A_105] : memref<20000x32xf32, #tpu.memory_space<hbm>> -> memref<20000x32xf32, #tpu.memory_space<hbm>>
    tpu.enqueue_indirect_dma source(%dma_start3A_106 : memref<20000x32xf32, #tpu.memory_space<hbm>>) target(%arg8 : memref<1280x32xf32, #tpu.memory_space<vmem>>) offsets(%dma_start3A_103 : memref<1280xi32, #tpu.memory_space<vmem>>) semaphore(%arg13 : memref<!tpu.dma_semaphore, #tpu.memory_space<semaphore_mem>>)
    %dma_wait3A_107 = arith.constant 0 : i32
    %dma_wait3A_108 = arith.constant 0 : i32
    %dma_wait3A_109 = tpu.memref_slice %arg2[%dma_wait3A_107, %dma_wait3A_108] : memref<20000x32xf32, #tpu.memory_space<hbm>> -> memref<1280x32xf32, #tpu.memory_space<hbm>>
    %dma_wait3A_110 = arith.constant 0 : i32
    %dma_wait3A_111 = arith.constant 0 : i32
    %dma_wait3A_112 = tpu.memref_slice %arg2[%dma_wait3A_110, %dma_wait3A_111] : memref<20000x32xf32, #tpu.memory_space<hbm>> -> memref<1280x32xf32, #tpu.memory_space<hbm>>
    tpu.wait_dma2 semaphore(%arg12 : memref<!tpu.dma_semaphore, #tpu.memory_space<semaphore_mem>>) src(%dma_wait3A_112 : memref<1280x32xf32, #tpu.memory_space<hbm>>) dst(%arg7 : memref<1280x32xf32, #tpu.memory_space<vmem>>)
    %run_scoped3A_113 = arith.constant 1 : i32
    "tpu.region"() ({
      %run_scoped3A_172 = tpu.sem_alloc : memref<!tpu.dma_semaphore, #tpu.memory_space<semaphore_mem>>
      %dma_start3A_173 = arith.constant 0 : i32
      %dma_start3A_174 = tpu.memref_slice %arg6[%run_scoped3A_113, %dma_start3A_173] : memref<8x1280xi32, #tpu.memory_space<vmem>> -> memref<1x1280xi32, #tpu.memory_space<vmem>>
      %dma_start3A_175 = tpu.memref_squeeze %dma_start3A_174 : memref<1x1280xi32, #tpu.memory_space<vmem>> -> memref<1280xi32, #tpu.memory_space<vmem>>
      %dma_start3A_176 = arith.constant 0 : i32
      %dma_start3A_177 = arith.constant 0 : i32
      %dma_start3A_178 = tpu.memref_slice %arg9[%dma_start3A_176, %dma_start3A_177] : memref<10240x32xf32, #tpu.memory_space<vmem_shared>> -> memref<10240x32xf32, #tpu.memory_space<vmem_shared>>
      tpu.enqueue_indirect_dma source(%arg7 : memref<1280x32xf32, #tpu.memory_space<vmem>>) target(%dma_start3A_178 : memref<10240x32xf32, #tpu.memory_space<vmem_shared>>) offsets(%dma_start3A_175 : memref<1280xi32, #tpu.memory_space<vmem>>) semaphore(%run_scoped3A_172 : memref<!tpu.dma_semaphore, #tpu.memory_space<semaphore_mem>>) {add = true}
      %dma_wait3A_179 = arith.constant 0 : i32
      %dma_wait3A_180 = tpu.memref_slice %arg6[%run_scoped3A_113, %dma_wait3A_179] : memref<8x1280xi32, #tpu.memory_space<vmem>> -> memref<1x1280xi32, #tpu.memory_space<vmem>>
      %dma_wait3A_181 = tpu.memref_squeeze %dma_wait3A_180 : memref<1x1280xi32, #tpu.memory_space<vmem>> -> memref<1280xi32, #tpu.memory_space<vmem>>
      %dma_wait3A_182 = arith.constant 0 : i32
      %dma_wait3A_183 = arith.constant 0 : i32
      %dma_wait3A_184 = tpu.memref_slice %arg9[%dma_wait3A_182, %dma_wait3A_183] : memref<10240x32xf32, #tpu.memory_space<vmem_shared>> -> memref<10240x32xf32, #tpu.memory_space<vmem_shared>>
      tpu.wait_indirect_dma semaphore(%run_scoped3A_172 : memref<!tpu.dma_semaphore, #tpu.memory_space<semaphore_mem>>) src(%arg7 : memref<1280x32xf32, #tpu.memory_space<vmem>>) dst(%dma_wait3A_184 : memref<10240x32xf32, #tpu.memory_space<vmem_shared>>)
      tpu.yield
    }) : () -> ()
    %dma_start3A_114 = arith.constant 4 : i32
    %dma_start3A_115 = arith.constant 0 : i32
    %dma_start3A_116 = tpu.memref_slice %arg6[%dma_start3A_114, %dma_start3A_115] : memref<8x1280xi32, #tpu.memory_space<vmem>> -> memref<1x1280xi32, #tpu.memory_space<vmem>>
    %dma_start3A_117 = tpu.memref_squeeze %dma_start3A_116 : memref<1x1280xi32, #tpu.memory_space<vmem>> -> memref<1280xi32, #tpu.memory_space<vmem>>
    %dma_start3A_118 = arith.constant 0 : i32
    %dma_start3A_119 = arith.constant 0 : i32
    %dma_start3A_120 = tpu.memref_slice %arg2[%dma_start3A_118, %dma_start3A_119] : memref<20000x32xf32, #tpu.memory_space<hbm>> -> memref<20000x32xf32, #tpu.memory_space<hbm>>
    tpu.enqueue_indirect_dma source(%dma_start3A_120 : memref<20000x32xf32, #tpu.memory_space<hbm>>) target(%arg7 : memref<1280x32xf32, #tpu.memory_space<vmem>>) offsets(%dma_start3A_117 : memref<1280xi32, #tpu.memory_space<vmem>>) semaphore(%arg12 : memref<!tpu.dma_semaphore, #tpu.memory_space<semaphore_mem>>)
    %dma_wait3A_121 = arith.constant 0 : i32
    %dma_wait3A_122 = arith.constant 0 : i32
    %dma_wait3A_123 = tpu.memref_slice %arg2[%dma_wait3A_121, %dma_wait3A_122] : memref<20000x32xf32, #tpu.memory_space<hbm>> -> memref<1280x32xf32, #tpu.memory_space<hbm>>
    %dma_wait3A_124 = arith.constant 0 : i32
    %dma_wait3A_125 = arith.constant 0 : i32
    %dma_wait3A_126 = tpu.memref_slice %arg2[%dma_wait3A_124, %dma_wait3A_125] : memref<20000x32xf32, #tpu.memory_space<hbm>> -> memref<1280x32xf32, #tpu.memory_space<hbm>>
    tpu.wait_dma2 semaphore(%arg13 : memref<!tpu.dma_semaphore, #tpu.memory_space<semaphore_mem>>) src(%dma_wait3A_126 : memref<1280x32xf32, #tpu.memory_space<hbm>>) dst(%arg8 : memref<1280x32xf32, #tpu.memory_space<vmem>>)
    %run_scoped3A_127 = arith.constant 3 : i32
    "tpu.region"() ({
      %run_scoped3A_172 = tpu.sem_alloc : memref<!tpu.dma_semaphore, #tpu.memory_space<semaphore_mem>>
      %dma_start3A_173 = arith.constant 0 : i32
      %dma_start3A_174 = tpu.memref_slice %arg6[%run_scoped3A_127, %dma_start3A_173] : memref<8x1280xi32, #tpu.memory_space<vmem>> -> memref<1x1280xi32, #tpu.memory_space<vmem>>
      %dma_start3A_175 = tpu.memref_squeeze %dma_start3A_174 : memref<1x1280xi32, #tpu.memory_space<vmem>> -> memref<1280xi32, #tpu.memory_space<vmem>>
      %dma_start3A_176 = arith.constant 0 : i32
      %dma_start3A_177 = arith.constant 0 : i32
      %dma_start3A_178 = tpu.memref_slice %arg9[%dma_start3A_176, %dma_start3A_177] : memref<10240x32xf32, #tpu.memory_space<vmem_shared>> -> memref<10240x32xf32, #tpu.memory_space<vmem_shared>>
      tpu.enqueue_indirect_dma source(%arg8 : memref<1280x32xf32, #tpu.memory_space<vmem>>) target(%dma_start3A_178 : memref<10240x32xf32, #tpu.memory_space<vmem_shared>>) offsets(%dma_start3A_175 : memref<1280xi32, #tpu.memory_space<vmem>>) semaphore(%run_scoped3A_172 : memref<!tpu.dma_semaphore, #tpu.memory_space<semaphore_mem>>) {add = true}
      %dma_wait3A_179 = arith.constant 0 : i32
      %dma_wait3A_180 = tpu.memref_slice %arg6[%run_scoped3A_127, %dma_wait3A_179] : memref<8x1280xi32, #tpu.memory_space<vmem>> -> memref<1x1280xi32, #tpu.memory_space<vmem>>
      %dma_wait3A_181 = tpu.memref_squeeze %dma_wait3A_180 : memref<1x1280xi32, #tpu.memory_space<vmem>> -> memref<1280xi32, #tpu.memory_space<vmem>>
      %dma_wait3A_182 = arith.constant 0 : i32
      %dma_wait3A_183 = arith.constant 0 : i32
      %dma_wait3A_184 = tpu.memref_slice %arg9[%dma_wait3A_182, %dma_wait3A_183] : memref<10240x32xf32, #tpu.memory_space<vmem_shared>> -> memref<10240x32xf32, #tpu.memory_space<vmem_shared>>
      tpu.wait_indirect_dma semaphore(%run_scoped3A_172 : memref<!tpu.dma_semaphore, #tpu.memory_space<semaphore_mem>>) src(%arg8 : memref<1280x32xf32, #tpu.memory_space<vmem>>) dst(%dma_wait3A_184 : memref<10240x32xf32, #tpu.memory_space<vmem_shared>>)
      tpu.yield
    }) : () -> ()
    %dma_start3A_128 = arith.constant 6 : i32
    %dma_start3A_129 = arith.constant 0 : i32
    %dma_start3A_130 = tpu.memref_slice %arg6[%dma_start3A_128, %dma_start3A_129] : memref<8x1280xi32, #tpu.memory_space<vmem>> -> memref<1x1280xi32, #tpu.memory_space<vmem>>
    %dma_start3A_131 = tpu.memref_squeeze %dma_start3A_130 : memref<1x1280xi32, #tpu.memory_space<vmem>> -> memref<1280xi32, #tpu.memory_space<vmem>>
    %dma_start3A_132 = arith.constant 0 : i32
    %dma_start3A_133 = arith.constant 0 : i32
    %dma_start3A_134 = tpu.memref_slice %arg2[%dma_start3A_132, %dma_start3A_133] : memref<20000x32xf32, #tpu.memory_space<hbm>> -> memref<20000x32xf32, #tpu.memory_space<hbm>>
    tpu.enqueue_indirect_dma source(%dma_start3A_134 : memref<20000x32xf32, #tpu.memory_space<hbm>>) target(%arg8 : memref<1280x32xf32, #tpu.memory_space<vmem>>) offsets(%dma_start3A_131 : memref<1280xi32, #tpu.memory_space<vmem>>) semaphore(%arg13 : memref<!tpu.dma_semaphore, #tpu.memory_space<semaphore_mem>>)
    %dma_wait3A_135 = arith.constant 0 : i32
    %dma_wait3A_136 = arith.constant 0 : i32
    %dma_wait3A_137 = tpu.memref_slice %arg2[%dma_wait3A_135, %dma_wait3A_136] : memref<20000x32xf32, #tpu.memory_space<hbm>> -> memref<1280x32xf32, #tpu.memory_space<hbm>>
    %dma_wait3A_138 = arith.constant 0 : i32
    %dma_wait3A_139 = arith.constant 0 : i32
    %dma_wait3A_140 = tpu.memref_slice %arg2[%dma_wait3A_138, %dma_wait3A_139] : memref<20000x32xf32, #tpu.memory_space<hbm>> -> memref<1280x32xf32, #tpu.memory_space<hbm>>
    tpu.wait_dma2 semaphore(%arg12 : memref<!tpu.dma_semaphore, #tpu.memory_space<semaphore_mem>>) src(%dma_wait3A_140 : memref<1280x32xf32, #tpu.memory_space<hbm>>) dst(%arg7 : memref<1280x32xf32, #tpu.memory_space<vmem>>)
    %run_scoped3A_141 = arith.constant 5 : i32
    "tpu.region"() ({
      %run_scoped3A_172 = tpu.sem_alloc : memref<!tpu.dma_semaphore, #tpu.memory_space<semaphore_mem>>
      %dma_start3A_173 = arith.constant 0 : i32
      %dma_start3A_174 = tpu.memref_slice %arg6[%run_scoped3A_141, %dma_start3A_173] : memref<8x1280xi32, #tpu.memory_space<vmem>> -> memref<1x1280xi32, #tpu.memory_space<vmem>>
      %dma_start3A_175 = tpu.memref_squeeze %dma_start3A_174 : memref<1x1280xi32, #tpu.memory_space<vmem>> -> memref<1280xi32, #tpu.memory_space<vmem>>
      %dma_start3A_176 = arith.constant 0 : i32
      %dma_start3A_177 = arith.constant 0 : i32
      %dma_start3A_178 = tpu.memref_slice %arg9[%dma_start3A_176, %dma_start3A_177] : memref<10240x32xf32, #tpu.memory_space<vmem_shared>> -> memref<10240x32xf32, #tpu.memory_space<vmem_shared>>
      tpu.enqueue_indirect_dma source(%arg7 : memref<1280x32xf32, #tpu.memory_space<vmem>>) target(%dma_start3A_178 : memref<10240x32xf32, #tpu.memory_space<vmem_shared>>) offsets(%dma_start3A_175 : memref<1280xi32, #tpu.memory_space<vmem>>) semaphore(%run_scoped3A_172 : memref<!tpu.dma_semaphore, #tpu.memory_space<semaphore_mem>>) {add = true}
      %dma_wait3A_179 = arith.constant 0 : i32
      %dma_wait3A_180 = tpu.memref_slice %arg6[%run_scoped3A_141, %dma_wait3A_179] : memref<8x1280xi32, #tpu.memory_space<vmem>> -> memref<1x1280xi32, #tpu.memory_space<vmem>>
      %dma_wait3A_181 = tpu.memref_squeeze %dma_wait3A_180 : memref<1x1280xi32, #tpu.memory_space<vmem>> -> memref<1280xi32, #tpu.memory_space<vmem>>
      %dma_wait3A_182 = arith.constant 0 : i32
      %dma_wait3A_183 = arith.constant 0 : i32
      %dma_wait3A_184 = tpu.memref_slice %arg9[%dma_wait3A_182, %dma_wait3A_183] : memref<10240x32xf32, #tpu.memory_space<vmem_shared>> -> memref<10240x32xf32, #tpu.memory_space<vmem_shared>>
      tpu.wait_indirect_dma semaphore(%run_scoped3A_172 : memref<!tpu.dma_semaphore, #tpu.memory_space<semaphore_mem>>) src(%arg7 : memref<1280x32xf32, #tpu.memory_space<vmem>>) dst(%dma_wait3A_184 : memref<10240x32xf32, #tpu.memory_space<vmem_shared>>)
      tpu.yield
    }) : () -> ()
    %add3A_142 = arith.constant 1 : i32
    %add3A_143 = arith.addi %add3A_34, %add3A_142 : i32
    %lt3A_144 = arith.constant 1 : i32
    %lt3A_145 = arith.cmpi slt, %add3A_143, %lt3A_144 : i32
    %convert_element_type3A_146 = arith.extui %lt3A_145 : i1 to i32
    %cond3A_147 = arith.constant 0 : i32
    %cond3A_148 = arith.cmpi ne, %convert_element_type3A_146, %cond3A_147 : i32
    scf.if %cond3A_148 {
      %dma_wait3A_172 = arith.constant 0 : i32
      %dma_wait3A_173 = arith.constant 0 : i32
      %dma_wait3A_174 = tpu.memref_slice %arg3[%dma_wait3A_172, %dma_wait3A_173] : memref<512x1280xi32, #tpu.memory_space<hbm>> -> memref<8x1280xi32, #tpu.memory_space<hbm>>
      %dma_wait3A_175 = arith.constant 0 : i32
      %dma_wait3A_176 = arith.constant 0 : i32
      %dma_wait3A_177 = tpu.memref_slice %arg3[%dma_wait3A_175, %dma_wait3A_176] : memref<512x1280xi32, #tpu.memory_space<hbm>> -> memref<8x1280xi32, #tpu.memory_space<hbm>>
      tpu.wait_dma2 semaphore(%arg10 : memref<!tpu.dma_semaphore, #tpu.memory_space<semaphore_mem>>) src(%dma_wait3A_177 : memref<8x1280xi32, #tpu.memory_space<hbm>>) dst(%arg5 : memref<8x1280xi32, #tpu.memory_space<vmem>>)
      %dma_start3A_178 = arith.constant 0 : i32
      %dma_start3A_179 = arith.constant 0 : i32
      %dma_start3A_180 = tpu.memref_slice %arg5[%dma_start3A_178, %dma_start3A_179] : memref<8x1280xi32, #tpu.memory_space<vmem>> -> memref<1x1280xi32, #tpu.memory_space<vmem>>
      %dma_start3A_181 = tpu.memref_squeeze %dma_start3A_180 : memref<1x1280xi32, #tpu.memory_space<vmem>> -> memref<1280xi32, #tpu.memory_space<vmem>>
      %dma_start3A_182 = arith.constant 0 : i32
      %dma_start3A_183 = arith.constant 0 : i32
      %dma_start3A_184 = tpu.memref_slice %arg2[%dma_start3A_182, %dma_start3A_183] : memref<20000x32xf32, #tpu.memory_space<hbm>> -> memref<20000x32xf32, #tpu.memory_space<hbm>>
      tpu.enqueue_indirect_dma source(%dma_start3A_184 : memref<20000x32xf32, #tpu.memory_space<hbm>>) target(%arg7 : memref<1280x32xf32, #tpu.memory_space<vmem>>) offsets(%dma_start3A_181 : memref<1280xi32, #tpu.memory_space<vmem>>) semaphore(%arg12 : memref<!tpu.dma_semaphore, #tpu.memory_space<semaphore_mem>>)
    } else {
    }
    %dma_wait3A_149 = arith.constant 0 : i32
    %dma_wait3A_150 = arith.constant 0 : i32
    %dma_wait3A_151 = tpu.memref_slice %arg2[%dma_wait3A_149, %dma_wait3A_150] : memref<20000x32xf32, #tpu.memory_space<hbm>> -> memref<1280x32xf32, #tpu.memory_space<hbm>>
    %dma_wait3A_152 = arith.constant 0 : i32
    %dma_wait3A_153 = arith.constant 0 : i32
    %dma_wait3A_154 = tpu.memref_slice %arg2[%dma_wait3A_152, %dma_wait3A_153] : memref<20000x32xf32, #tpu.memory_space<hbm>> -> memref<1280x32xf32, #tpu.memory_space<hbm>>
    tpu.wait_dma2 semaphore(%arg13 : memref<!tpu.dma_semaphore, #tpu.memory_space<semaphore_mem>>) src(%dma_wait3A_154 : memref<1280x32xf32, #tpu.memory_space<hbm>>) dst(%arg8 : memref<1280x32xf32, #tpu.memory_space<vmem>>)
    %run_scoped3A_155 = arith.constant 7 : i32
    "tpu.region"() ({
      %run_scoped3A_172 = tpu.sem_alloc : memref<!tpu.dma_semaphore, #tpu.memory_space<semaphore_mem>>
      %dma_start3A_173 = arith.constant 0 : i32
      %dma_start3A_174 = tpu.memref_slice %arg6[%run_scoped3A_155, %dma_start3A_173] : memref<8x1280xi32, #tpu.memory_space<vmem>> -> memref<1x1280xi32, #tpu.memory_space<vmem>>
      %dma_start3A_175 = tpu.memref_squeeze %dma_start3A_174 : memref<1x1280xi32, #tpu.memory_space<vmem>> -> memref<1280xi32, #tpu.memory_space<vmem>>
      %dma_start3A_176 = arith.constant 0 : i32
      %dma_start3A_177 = arith.constant 0 : i32
      %dma_start3A_178 = tpu.memref_slice %arg9[%dma_start3A_176, %dma_start3A_177] : memref<10240x32xf32, #tpu.memory_space<vmem_shared>> -> memref<10240x32xf32, #tpu.memory_space<vmem_shared>>
      tpu.enqueue_indirect_dma source(%arg8 : memref<1280x32xf32, #tpu.memory_space<vmem>>) target(%dma_start3A_178 : memref<10240x32xf32, #tpu.memory_space<vmem_shared>>) offsets(%dma_start3A_175 : memref<1280xi32, #tpu.memory_space<vmem>>) semaphore(%run_scoped3A_172 : memref<!tpu.dma_semaphore, #tpu.memory_space<semaphore_mem>>) {add = true}
      %dma_wait3A_179 = arith.constant 0 : i32
      %dma_wait3A_180 = tpu.memref_slice %arg6[%run_scoped3A_155, %dma_wait3A_179] : memref<8x1280xi32, #tpu.memory_space<vmem>> -> memref<1x1280xi32, #tpu.memory_space<vmem>>
      %dma_wait3A_181 = tpu.memref_squeeze %dma_wait3A_180 : memref<1x1280xi32, #tpu.memory_space<vmem>> -> memref<1280xi32, #tpu.memory_space<vmem>>
      %dma_wait3A_182 = arith.constant 0 : i32
      %dma_wait3A_183 = arith.constant 0 : i32
      %dma_wait3A_184 = tpu.memref_slice %arg9[%dma_wait3A_182, %dma_wait3A_183] : memref<10240x32xf32, #tpu.memory_space<vmem_shared>> -> memref<10240x32xf32, #tpu.memory_space<vmem_shared>>
      tpu.wait_indirect_dma semaphore(%run_scoped3A_172 : memref<!tpu.dma_semaphore, #tpu.memory_space<semaphore_mem>>) src(%arg8 : memref<1280x32xf32, #tpu.memory_space<vmem>>) dst(%dma_wait3A_184 : memref<10240x32xf32, #tpu.memory_space<vmem_shared>>)
      tpu.yield
    }) : () -> ()
    %add3A_156 = arith.constant 1 : i32
    %add3A_157 = arith.addi %add3A_34, %add3A_156 : i32
    %lt3A_158 = arith.constant 1 : i32
    %lt3A_159 = arith.cmpi slt, %add3A_157, %lt3A_158 : i32
    %convert_element_type3A_160 = arith.extui %lt3A_159 : i1 to i32
    %cond3A_161 = arith.constant 0 : i32
    %cond3A_162 = arith.cmpi ne, %convert_element_type3A_160, %cond3A_161 : i32
    scf.if %cond3A_162 {
      %mul3A_172 = arith.constant 2 : i32
      %mul3A_173 = arith.muli %mul3A_172, %add3A_34 : i32
      %add3A_174 = arith.constant 3 : i32
      %add3A_175 = arith.addi %mul3A_173, %add3A_174 : i32
      %mul3A_176 = arith.constant 8 : i32
      %mul3A_177 = arith.muli %add3A_175, %mul3A_176 : i32
      %add3A_178 = arith.addi %mul3A_4, %mul3A_177 : i32
      %dma_start3A_179 = arith.constant 0 : i32
      %dma_start3A_180 = tpu.memref_slice %arg3[%add3A_178, %dma_start3A_179] : memref<512x1280xi32, #tpu.memory_space<hbm>> -> memref<8x1280xi32, #tpu.memory_space<hbm>>
      %dma_start3A_181 = arith.constant 0 : i32
      %dma_start3A_182 = tpu.memref_slice %arg3[%add3A_178, %dma_start3A_181] : memref<512x1280xi32, #tpu.memory_space<hbm>> -> memref<8x1280xi32, #tpu.memory_space<hbm>>
      tpu.enqueue_dma source(%dma_start3A_182 : memref<8x1280xi32, #tpu.memory_space<hbm>>) target(%arg6 : memref<8x1280xi32, #tpu.memory_space<vmem>>) target_semaphore(%arg11 : memref<!tpu.dma_semaphore, #tpu.memory_space<semaphore_mem>>)
    } else {
    }
    %scan3A_163 = arith.constant 1 : i32
    %barrier3A_164 = arith.constant 0 : index
    tpu.barrier barrier_id(%barrier3A_164)
    %mul3A_165 = arith.constant 625 : i32
    %mul3A_166 = arith.muli %arg1, %mul3A_165 : i32
    %mul3A_167 = arith.constant 10000 : i32
    %mul3A_168 = arith.muli %arg0, %mul3A_167 : i32
    %mul3A_169 = arith.constant 625 : i32
    %mul3A_170 = arith.muli %arg1, %mul3A_169 : i32
    %add3A_171 = arith.addi %mul3A_168, %mul3A_170 : i32
    "tpu.region"() ({
      %run_scoped3A_172 = tpu.sem_alloc : memref<!tpu.dma_semaphore, #tpu.memory_space<semaphore_mem>>
      %dma_start3A_173 = arith.constant 0 : i32
      %dma_start3A_174 = tpu.memref_slice %arg4[%add3A_171, %dma_start3A_173] : memref<20000x32xf32, #tpu.memory_space<hbm>> -> memref<625x32xf32, #tpu.memory_space<hbm>>
      %dma_start3A_175 = arith.constant 0 : i32
      %dma_start3A_176 = tpu.memref_slice %arg9[%mul3A_166, %dma_start3A_175] : memref<10240x32xf32, #tpu.memory_space<vmem_shared>> -> memref<625x32xf32, #tpu.memory_space<vmem_shared>>
      tpu.enqueue_dma source(%dma_start3A_176 : memref<625x32xf32, #tpu.memory_space<vmem_shared>>) target(%dma_start3A_174 : memref<625x32xf32, #tpu.memory_space<hbm>>) target_semaphore(%run_scoped3A_172 : memref<!tpu.dma_semaphore, #tpu.memory_space<semaphore_mem>>)
      %dma_wait3A_177 = arith.constant 0 : i32
      %dma_wait3A_178 = tpu.memref_slice %arg4[%add3A_171, %dma_wait3A_177] : memref<20000x32xf32, #tpu.memory_space<hbm>> -> memref<625x32xf32, #tpu.memory_space<hbm>>
      %dma_wait3A_179 = arith.constant 0 : i32
      %dma_wait3A_180 = tpu.memref_slice %arg9[%mul3A_166, %dma_wait3A_179] : memref<10240x32xf32, #tpu.memory_space<vmem_shared>> -> memref<625x32xf32, #tpu.memory_space<vmem_shared>>
      tpu.wait_dma2 semaphore(%run_scoped3A_172 : memref<!tpu.dma_semaphore, #tpu.memory_space<semaphore_mem>>) src(%dma_wait3A_180 : memref<625x32xf32, #tpu.memory_space<vmem_shared>>) dst(%dma_wait3A_178 : memref<625x32xf32, #tpu.memory_space<hbm>>)
      tpu.yield
    }) : () -> ()
    return
  }
}

#map = affine_map<(d0, d1) -> (0, 0)>
#map1 = affine_map<(d0, d1) -> (0)>
module attributes {stable_mosaic.version = 14 : i64} {
  func.func @_sc_degree(%arg0: i32, %arg1: i32, %arg2: memref<2x160000xi32, #tpu.memory_space<hbm>>, %arg3: memref<20480xf32, #tpu.memory_space<hbm>>, %arg4: memref<5000xi32, #tpu.memory_space<vmem>>, %arg5: memref<5008xf32, #tpu.memory_space<vmem>>, %arg6: memref<640xf32, #tpu.memory_space<vmem>>, %arg7: memref<10240xf32, #tpu.memory_space<vmem_shared>>) attributes {dimension_semantics = [#tpu.dimension_semantics<core_parallel>, #tpu.dimension_semantics<subcore_parallel>], iteration_bounds = array<i64: 2, 16>, scalar_prefetch = 0 : i64, scratch_operands = 4 : i64, tpu.core_type = #tpu.core_type<sc_vector_subcore>, window_params = [{transform_indices = #map}, {transform_indices = #map1}]} {
    %mul3A = arith.constant 2 : i32
    %mul3A_0 = arith.muli %arg1, %mul3A : i32
    %add3A = arith.addi %mul3A_0, %arg0 : i32
    %scan3A = arith.constant 0 : i32
    %scan3A_1 = arith.constant 313 : i32
    %scan3A_2 = arith.addi %scan3A, %scan3A_1 : i32
    %scan3A_3 = arith.constant 1 : i32
    scf.for %scan3A_22 = %scan3A to %scan3A_2 step %scan3A_3  : i32 {
      %mul3A_23 = arith.constant 16 : i32
      %mul3A_24 = arith.muli %scan3A_22, %mul3A_23 : i32
      %add3A_25 = arith.constant 0 : i32
      %add3A_26 = arith.addi %add3A_25, %mul3A_24 : i32
      %broadcast_in_dim3A = arith.constant 1.000000e+00 : f32
      %broadcast_in_dim3A_27 = vector.broadcast %broadcast_in_dim3A : f32 to vector<16xf32>
      %swap3A = arith.index_cast %add3A_26 : i32 to index
      %swap3A_28 = tpu.vector_load %arg5[%swap3A] {strides = array<i32>} : memref<5008xf32, #tpu.memory_space<vmem>>, vector<16xf32>,
      %swap3A_29 = vector.shape_cast %swap3A_28 : vector<16xf32> to vector<16xf32>
      %swap3A_30 = vector.shape_cast %broadcast_in_dim3A_27 : vector<16xf32> to vector<16xf32>
      tpu.vector_store %arg5[%swap3A], %swap3A_30 {strides = array<i32>} : memref<5008xf32, #tpu.memory_space<vmem>>, vector<16xf32>,
    }
    %scan3A_4 = arith.constant 313 : i32
    %scan3A_5 = arith.constant 0 : i32
    %scan3A_6 = arith.constant 40 : i32
    %scan3A_7 = arith.addi %scan3A_5, %scan3A_6 : i32
    %scan3A_8 = arith.constant 1 : i32
    scf.for %scan3A_22 = %scan3A_5 to %scan3A_7 step %scan3A_8  : i32 {
      %mul3A_23 = arith.constant 16 : i32
      %mul3A_24 = arith.muli %scan3A_22, %mul3A_23 : i32
      %add3A_25 = arith.constant 0 : i32
      %add3A_26 = arith.addi %add3A_25, %mul3A_24 : i32
      %broadcast_in_dim3A = arith.constant 0.000000e+00 : f32
      %broadcast_in_dim3A_27 = vector.broadcast %broadcast_in_dim3A : f32 to vector<16xf32>
      %swap3A = arith.index_cast %add3A_26 : i32 to index
      %swap3A_28 = tpu.vector_load %arg6[%swap3A] {strides = array<i32>} : memref<640xf32, #tpu.memory_space<vmem>>, vector<16xf32>,
      %swap3A_29 = vector.shape_cast %swap3A_28 : vector<16xf32> to vector<16xf32>
      %swap3A_30 = vector.shape_cast %broadcast_in_dim3A_27 : vector<16xf32> to vector<16xf32>
      tpu.vector_store %arg6[%swap3A], %swap3A_30 {strides = array<i32>} : memref<640xf32, #tpu.memory_space<vmem>>, vector<16xf32>,
    }
    %scan3A_9 = arith.constant 40 : i32
    %mul3A_10 = arith.constant 640 : i32
    %mul3A_11 = arith.muli %arg1, %mul3A_10 : i32
    "tpu.region"() ({
      %run_scoped3A_22 = tpu.sem_alloc : memref<!tpu.dma_semaphore, #tpu.memory_space<semaphore_mem>>
      %dma_start3A = tpu.memref_slice %arg7[%mul3A_11] : memref<10240xf32, #tpu.memory_space<vmem_shared>> -> memref<640xf32, #tpu.memory_space<vmem_shared>>
      %dma_start3A_23 = tpu.memref_slice %arg7[%mul3A_11] : memref<10240xf32, #tpu.memory_space<vmem_shared>> -> memref<640xf32, #tpu.memory_space<vmem_shared>>
      tpu.enqueue_dma source(%arg6 : memref<640xf32, #tpu.memory_space<vmem>>) target(%dma_start3A_23 : memref<640xf32, #tpu.memory_space<vmem_shared>>) target_semaphore(%run_scoped3A_22 : memref<!tpu.dma_semaphore, #tpu.memory_space<semaphore_mem>>)
      %dma_wait3A = tpu.memref_slice %arg7[%mul3A_11] : memref<10240xf32, #tpu.memory_space<vmem_shared>> -> memref<640xf32, #tpu.memory_space<vmem_shared>>
      %dma_wait3A_24 = tpu.memref_slice %arg7[%mul3A_11] : memref<10240xf32, #tpu.memory_space<vmem_shared>> -> memref<640xf32, #tpu.memory_space<vmem_shared>>
      tpu.wait_dma2 semaphore(%run_scoped3A_22 : memref<!tpu.dma_semaphore, #tpu.memory_space<semaphore_mem>>) src(%arg6 : memref<640xf32, #tpu.memory_space<vmem>>) dst(%dma_wait3A_24 : memref<640xf32, #tpu.memory_space<vmem_shared>>)
      tpu.yield
    }) : () -> ()
    %barrier3A = arith.constant 0 : index
    tpu.barrier barrier_id(%barrier3A)
    %mul3A_12 = arith.constant 5000 : i32
    %mul3A_13 = arith.muli %add3A, %mul3A_12 : i32
    %run_scoped3A = arith.constant 1 : i32
    "tpu.region"() ({
      %run_scoped3A_22 = tpu.sem_alloc : memref<!tpu.dma_semaphore, #tpu.memory_space<semaphore_mem>>
      %dma_start3A = arith.constant 0 : i32
      %dma_start3A_23 = tpu.memref_slice %arg2[%run_scoped3A, %dma_start3A] : memref<2x160000xi32, #tpu.memory_space<hbm>> -> memref<1x160000xi32, #tpu.memory_space<hbm>>
      %dma_start3A_24 = tpu.memref_squeeze %dma_start3A_23 : memref<1x160000xi32, #tpu.memory_space<hbm>> -> memref<160000xi32, #tpu.memory_space<hbm>>
      %dma_start3A_25 = tpu.memref_slice %dma_start3A_24[%mul3A_13] : memref<160000xi32, #tpu.memory_space<hbm>> -> memref<5000xi32, #tpu.memory_space<hbm>>
      %dma_start3A_26 = arith.constant 0 : i32
      %dma_start3A_27 = tpu.memref_slice %arg2[%run_scoped3A, %dma_start3A_26] : memref<2x160000xi32, #tpu.memory_space<hbm>> -> memref<1x160000xi32, #tpu.memory_space<hbm>>
      %dma_start3A_28 = tpu.memref_squeeze %dma_start3A_27 : memref<1x160000xi32, #tpu.memory_space<hbm>> -> memref<160000xi32, #tpu.memory_space<hbm>>
      %dma_start3A_29 = tpu.memref_slice %dma_start3A_28[%mul3A_13] : memref<160000xi32, #tpu.memory_space<hbm>> -> memref<5000xi32, #tpu.memory_space<hbm>>
      tpu.enqueue_dma source(%dma_start3A_29 : memref<5000xi32, #tpu.memory_space<hbm>>) target(%arg4 : memref<5000xi32, #tpu.memory_space<vmem>>) target_semaphore(%run_scoped3A_22 : memref<!tpu.dma_semaphore, #tpu.memory_space<semaphore_mem>>)
      %dma_wait3A = arith.constant 0 : i32
      %dma_wait3A_30 = tpu.memref_slice %arg2[%run_scoped3A, %dma_wait3A] : memref<2x160000xi32, #tpu.memory_space<hbm>> -> memref<1x160000xi32, #tpu.memory_space<hbm>>
      %dma_wait3A_31 = tpu.memref_squeeze %dma_wait3A_30 : memref<1x160000xi32, #tpu.memory_space<hbm>> -> memref<160000xi32, #tpu.memory_space<hbm>>
      %dma_wait3A_32 = tpu.memref_slice %dma_wait3A_31[%mul3A_13] : memref<160000xi32, #tpu.memory_space<hbm>> -> memref<5000xi32, #tpu.memory_space<hbm>>
      %dma_wait3A_33 = arith.constant 0 : i32
      %dma_wait3A_34 = tpu.memref_slice %arg2[%run_scoped3A, %dma_wait3A_33] : memref<2x160000xi32, #tpu.memory_space<hbm>> -> memref<1x160000xi32, #tpu.memory_space<hbm>>
      %dma_wait3A_35 = tpu.memref_squeeze %dma_wait3A_34 : memref<1x160000xi32, #tpu.memory_space<hbm>> -> memref<160000xi32, #tpu.memory_space<hbm>>
      %dma_wait3A_36 = tpu.memref_slice %dma_wait3A_35[%mul3A_13] : memref<160000xi32, #tpu.memory_space<hbm>> -> memref<5000xi32, #tpu.memory_space<hbm>>
      tpu.wait_dma2 semaphore(%run_scoped3A_22 : memref<!tpu.dma_semaphore, #tpu.memory_space<semaphore_mem>>) src(%dma_wait3A_36 : memref<5000xi32, #tpu.memory_space<hbm>>) dst(%arg4 : memref<5000xi32, #tpu.memory_space<vmem>>)
      tpu.yield
    }) : () -> ()
    "tpu.region"() ({
      %run_scoped3A_22 = tpu.sem_alloc : memref<!tpu.dma_semaphore, #tpu.memory_space<semaphore_mem>>
      %dma_start3A = arith.constant 0 : i32
      %dma_start3A_23 = tpu.memref_slice %arg5[%dma_start3A] : memref<5008xf32, #tpu.memory_space<vmem>> -> memref<5000xf32, #tpu.memory_space<vmem>>
      %dma_start3A_24 = arith.constant 0 : i32
      %dma_start3A_25 = tpu.memref_slice %arg7[%dma_start3A_24] : memref<10240xf32, #tpu.memory_space<vmem_shared>> -> memref<10240xf32, #tpu.memory_space<vmem_shared>>
      tpu.enqueue_indirect_dma source(%dma_start3A_23 : memref<5000xf32, #tpu.memory_space<vmem>>) target(%dma_start3A_25 : memref<10240xf32, #tpu.memory_space<vmem_shared>>) offsets(%arg4 : memref<5000xi32, #tpu.memory_space<vmem>>) semaphore(%run_scoped3A_22 : memref<!tpu.dma_semaphore, #tpu.memory_space<semaphore_mem>>) {add = true}
      %dma_wait3A = arith.constant 0 : i32
      %dma_wait3A_26 = tpu.memref_slice %arg5[%dma_wait3A] : memref<5008xf32, #tpu.memory_space<vmem>> -> memref<5000xf32, #tpu.memory_space<vmem>>
      %dma_wait3A_27 = arith.constant 0 : i32
      %dma_wait3A_28 = tpu.memref_slice %arg7[%dma_wait3A_27] : memref<10240xf32, #tpu.memory_space<vmem_shared>> -> memref<10240xf32, #tpu.memory_space<vmem_shared>>
      tpu.wait_indirect_dma semaphore(%run_scoped3A_22 : memref<!tpu.dma_semaphore, #tpu.memory_space<semaphore_mem>>) src(%dma_wait3A_26 : memref<5000xf32, #tpu.memory_space<vmem>>) dst(%dma_wait3A_28 : memref<10240xf32, #tpu.memory_space<vmem_shared>>)
      tpu.yield
    }) : () -> ()
    %barrier3A_14 = arith.constant 0 : index
    tpu.barrier barrier_id(%barrier3A_14)
    %mul3A_15 = arith.constant 640 : i32
    %mul3A_16 = arith.muli %arg1, %mul3A_15 : i32
    %mul3A_17 = arith.constant 10240 : i32
    %mul3A_18 = arith.muli %arg0, %mul3A_17 : i32
    %mul3A_19 = arith.constant 640 : i32
    %mul3A_20 = arith.muli %arg1, %mul3A_19 : i32
    %add3A_21 = arith.addi %mul3A_18, %mul3A_20 : i32
    "tpu.region"() ({
      %run_scoped3A_22 = tpu.sem_alloc : memref<!tpu.dma_semaphore, #tpu.memory_space<semaphore_mem>>
      %dma_start3A = tpu.memref_slice %arg3[%add3A_21] : memref<20480xf32, #tpu.memory_space<hbm>> -> memref<640xf32, #tpu.memory_space<hbm>>
      %dma_start3A_23 = tpu.memref_slice %arg7[%mul3A_16] : memref<10240xf32, #tpu.memory_space<vmem_shared>> -> memref<640xf32, #tpu.memory_space<vmem_shared>>
      tpu.enqueue_dma source(%dma_start3A_23 : memref<640xf32, #tpu.memory_space<vmem_shared>>) target(%dma_start3A : memref<640xf32, #tpu.memory_space<hbm>>) target_semaphore(%run_scoped3A_22 : memref<!tpu.dma_semaphore, #tpu.memory_space<semaphore_mem>>)
      %dma_wait3A = tpu.memref_slice %arg3[%add3A_21] : memref<20480xf32, #tpu.memory_space<hbm>> -> memref<640xf32, #tpu.memory_space<hbm>>
      %dma_wait3A_24 = tpu.memref_slice %arg7[%mul3A_16] : memref<10240xf32, #tpu.memory_space<vmem_shared>> -> memref<640xf32, #tpu.memory_space<vmem_shared>>
      tpu.wait_dma2 semaphore(%run_scoped3A_22 : memref<!tpu.dma_semaphore, #tpu.memory_space<semaphore_mem>>) src(%dma_wait3A_24 : memref<640xf32, #tpu.memory_space<vmem_shared>>) dst(%dma_wait3A : memref<640xf32, #tpu.memory_space<hbm>>)
      tpu.yield
    }) : () -> ()
    return
  }
}

#map = affine_map<(d0, d1) -> (0, 0)>
module attributes {stable_mosaic.version = 14 : i64} {
  func.func @agg(%arg0: i32, %arg1: i32, %arg2: memref<20000x128xf32, #tpu.memory_space<hbm>>, %arg3: memref<4096x160xi32, #tpu.memory_space<hbm>>, %arg4: memref<20000x128xf32, #tpu.memory_space<hbm>>, %arg5: memref<8x160xi32, #tpu.memory_space<vmem>>, %arg6: memref<8x160xi32, #tpu.memory_space<vmem>>, %arg7: memref<160x128xf32, #tpu.memory_space<vmem>>, %arg8: memref<160x128xf32, #tpu.memory_space<vmem>>, %arg9: memref<10240x128xf32, #tpu.memory_space<vmem_shared>>, %arg10: memref<!tpu.dma_semaphore, #tpu.memory_space<semaphore_mem>>, %arg11: memref<!tpu.dma_semaphore, #tpu.memory_space<semaphore_mem>>, %arg12: memref<!tpu.dma_semaphore, #tpu.memory_space<semaphore_mem>>, %arg13: memref<!tpu.dma_semaphore, #tpu.memory_space<semaphore_mem>>, %arg14: memref<!tpu.dma_semaphore, #tpu.memory_space<semaphore_mem>>) attributes {dimension_semantics = [#tpu.dimension_semantics<core_parallel>, #tpu.dimension_semantics<subcore_parallel>], iteration_bounds = array<i64: 2, 16>, scalar_prefetch = 0 : i64, scratch_operands = 10 : i64, tpu.core_type = #tpu.core_type<sc_vector_subcore>, window_params = [{transform_indices = #map}, {transform_indices = #map}, {transform_indices = #map}]} {
    %mul3A = arith.constant 1024 : i32
    %mul3A_0 = arith.muli %arg0, %mul3A : i32
    %mul3A_1 = arith.constant 64 : i32
    %mul3A_2 = arith.muli %arg1, %mul3A_1 : i32
    %add3A = arith.addi %mul3A_0, %mul3A_2 : i32
    %mul3A_3 = arith.constant 2 : i32
    %mul3A_4 = arith.muli %add3A, %mul3A_3 : i32
    %mul3A_5 = arith.constant 10000 : i32
    %mul3A_6 = arith.muli %arg0, %mul3A_5 : i32
    %mul3A_7 = arith.constant 625 : i32
    %mul3A_8 = arith.muli %arg1, %mul3A_7 : i32
    %add3A_9 = arith.addi %mul3A_6, %mul3A_8 : i32
    %mul3A_10 = arith.constant 625 : i32
    %mul3A_11 = arith.muli %arg1, %mul3A_10 : i32
    %dma_start3A = arith.constant 0 : i32
    %dma_start3A_12 = tpu.memref_slice %arg9[%mul3A_11, %dma_start3A] : memref<10240x128xf32, #tpu.memory_space<vmem_shared>> -> memref<625x128xf32, #tpu.memory_space<vmem_shared>>
    %dma_start3A_13 = arith.constant 0 : i32
    %dma_start3A_14 = tpu.memref_slice %arg2[%add3A_9, %dma_start3A_13] : memref<20000x128xf32, #tpu.memory_space<hbm>> -> memref<625x128xf32, #tpu.memory_space<hbm>>
    tpu.enqueue_dma source(%dma_start3A_14 : memref<625x128xf32, #tpu.memory_space<hbm>>) target(%dma_start3A_12 : memref<625x128xf32, #tpu.memory_space<vmem_shared>>) target_semaphore(%arg14 : memref<!tpu.dma_semaphore, #tpu.memory_space<semaphore_mem>>)
    "tpu.region"() ({
      %run_scoped3A = tpu.sem_alloc : memref<!tpu.dma_semaphore, #tpu.memory_space<semaphore_mem>>
      %dma_start3A_43 = arith.constant 0 : i32
      %dma_start3A_44 = tpu.memref_slice %arg3[%mul3A_4, %dma_start3A_43] : memref<4096x160xi32, #tpu.memory_space<hbm>> -> memref<8x160xi32, #tpu.memory_space<hbm>>
      %dma_start3A_45 = arith.constant 0 : i32
      %dma_start3A_46 = tpu.memref_slice %arg3[%mul3A_4, %dma_start3A_45] : memref<4096x160xi32, #tpu.memory_space<hbm>> -> memref<8x160xi32, #tpu.memory_space<hbm>>
      tpu.enqueue_dma source(%dma_start3A_46 : memref<8x160xi32, #tpu.memory_space<hbm>>) target(%arg5 : memref<8x160xi32, #tpu.memory_space<vmem>>) target_semaphore(%run_scoped3A : memref<!tpu.dma_semaphore, #tpu.memory_space<semaphore_mem>>)
      %dma_wait3A_47 = arith.constant 0 : i32
      %dma_wait3A_48 = tpu.memref_slice %arg3[%mul3A_4, %dma_wait3A_47] : memref<4096x160xi32, #tpu.memory_space<hbm>> -> memref<8x160xi32, #tpu.memory_space<hbm>>
      %dma_wait3A_49 = arith.constant 0 : i32
      %dma_wait3A_50 = tpu.memref_slice %arg3[%mul3A_4, %dma_wait3A_49] : memref<4096x160xi32, #tpu.memory_space<hbm>> -> memref<8x160xi32, #tpu.memory_space<hbm>>
      tpu.wait_dma2 semaphore(%run_scoped3A : memref<!tpu.dma_semaphore, #tpu.memory_space<semaphore_mem>>) src(%dma_wait3A_50 : memref<8x160xi32, #tpu.memory_space<hbm>>) dst(%arg5 : memref<8x160xi32, #tpu.memory_space<vmem>>)
      tpu.yield
    }) : () -> ()
    %add3A_15 = arith.constant 8 : i32
    %add3A_16 = arith.addi %mul3A_4, %add3A_15 : i32
    %dma_start3A_17 = arith.constant 0 : i32
    %dma_start3A_18 = tpu.memref_slice %arg3[%add3A_16, %dma_start3A_17] : memref<4096x160xi32, #tpu.memory_space<hbm>> -> memref<8x160xi32, #tpu.memory_space<hbm>>
    %dma_start3A_19 = arith.constant 0 : i32
    %dma_start3A_20 = tpu.memref_slice %arg3[%add3A_16, %dma_start3A_19] : memref<4096x160xi32, #tpu.memory_space<hbm>> -> memref<8x160xi32, #tpu.memory_space<hbm>>
    tpu.enqueue_dma source(%dma_start3A_20 : memref<8x160xi32, #tpu.memory_space<hbm>>) target(%arg6 : memref<8x160xi32, #tpu.memory_space<vmem>>) target_semaphore(%arg11 : memref<!tpu.dma_semaphore, #tpu.memory_space<semaphore_mem>>)
    %dma_start3A_21 = arith.constant 0 : i32
    %dma_start3A_22 = arith.constant 0 : i32
    %dma_start3A_23 = tpu.memref_slice %arg5[%dma_start3A_21, %dma_start3A_22] : memref<8x160xi32, #tpu.memory_space<vmem>> -> memref<1x160xi32, #tpu.memory_space<vmem>>
    %dma_start3A_24 = tpu.memref_squeeze %dma_start3A_23 : memref<1x160xi32, #tpu.memory_space<vmem>> -> memref<160xi32, #tpu.memory_space<vmem>>
    %dma_start3A_25 = arith.constant 0 : i32
    %dma_start3A_26 = arith.constant 0 : i32
    %dma_start3A_27 = tpu.memref_slice %arg2[%dma_start3A_25, %dma_start3A_26] : memref<20000x128xf32, #tpu.memory_space<hbm>> -> memref<20000x128xf32, #tpu.memory_space<hbm>>
    tpu.enqueue_indirect_dma source(%dma_start3A_27 : memref<20000x128xf32, #tpu.memory_space<hbm>>) target(%arg7 : memref<160x128xf32, #tpu.memory_space<vmem>>) offsets(%dma_start3A_24 : memref<160xi32, #tpu.memory_space<vmem>>) semaphore(%arg12 : memref<!tpu.dma_semaphore, #tpu.memory_space<semaphore_mem>>)
    %dma_wait3A = arith.constant 0 : i32
    %dma_wait3A_28 = tpu.memref_slice %arg9[%mul3A_11, %dma_wait3A] : memref<10240x128xf32, #tpu.memory_space<vmem_shared>> -> memref<625x128xf32, #tpu.memory_space<vmem_shared>>
    %dma_wait3A_29 = arith.constant 0 : i32
    %dma_wait3A_30 = tpu.memref_slice %arg2[%add3A_9, %dma_wait3A_29] : memref<20000x128xf32, #tpu.memory_space<hbm>> -> memref<625x128xf32, #tpu.memory_space<hbm>>
    tpu.wait_dma2 semaphore(%arg14 : memref<!tpu.dma_semaphore, #tpu.memory_space<semaphore_mem>>) src(%dma_wait3A_30 : memref<625x128xf32, #tpu.memory_space<hbm>>) dst(%dma_wait3A_28 : memref<625x128xf32, #tpu.memory_space<vmem_shared>>)
    %barrier3A = arith.constant 0 : index
    tpu.barrier barrier_id(%barrier3A)
    %scan3A = arith.constant 0 : i32
    %scan3A_31 = arith.constant 8 : i32
    %scan3A_32 = arith.addi %scan3A, %scan3A_31 : i32
    %scan3A_33 = arith.constant 1 : i32
    scf.for %scan3A_43 = %scan3A to %scan3A_32 step %scan3A_33  : i32 {
      %mul3A_44 = arith.constant 1 : i32
      %mul3A_45 = arith.muli %scan3A_43, %mul3A_44 : i32
      %add3A_46 = arith.constant 0 : i32
      %add3A_47 = arith.addi %add3A_46, %mul3A_45 : i32
      %dma_start3A_48 = arith.constant 2 : i32
      %dma_start3A_49 = arith.constant 0 : i32
      %dma_start3A_50 = tpu.memref_slice %arg5[%dma_start3A_48, %dma_start3A_49] : memref<8x160xi32, #tpu.memory_space<vmem>> -> memref<1x160xi32, #tpu.memory_space<vmem>>
      %dma_start3A_51 = tpu.memref_squeeze %dma_start3A_50 : memref<1x160xi32, #tpu.memory_space<vmem>> -> memref<160xi32, #tpu.memory_space<vmem>>
      %dma_start3A_52 = arith.constant 0 : i32
      %dma_start3A_53 = arith.constant 0 : i32
      %dma_start3A_54 = tpu.memref_slice %arg2[%dma_start3A_52, %dma_start3A_53] : memref<20000x128xf32, #tpu.memory_space<hbm>> -> memref<20000x128xf32, #tpu.memory_space<hbm>>
      tpu.enqueue_indirect_dma source(%dma_start3A_54 : memref<20000x128xf32, #tpu.memory_space<hbm>>) target(%arg8 : memref<160x128xf32, #tpu.memory_space<vmem>>) offsets(%dma_start3A_51 : memref<160xi32, #tpu.memory_space<vmem>>) semaphore(%arg13 : memref<!tpu.dma_semaphore, #tpu.memory_space<semaphore_mem>>)
      %dma_wait3A_55 = arith.constant 0 : i32
      %dma_wait3A_56 = arith.constant 0 : i32
      %dma_wait3A_57 = tpu.memref_slice %arg2[%dma_wait3A_55, %dma_wait3A_56] : memref<20000x128xf32, #tpu.memory_space<hbm>> -> memref<160x128xf32, #tpu.memory_space<hbm>>
      %dma_wait3A_58 = arith.constant 0 : i32
      %dma_wait3A_59 = arith.constant 0 : i32
      %dma_wait3A_60 = tpu.memref_slice %arg2[%dma_wait3A_58, %dma_wait3A_59] : memref<20000x128xf32, #tpu.memory_space<hbm>> -> memref<160x128xf32, #tpu.memory_space<hbm>>
      tpu.wait_dma2 semaphore(%arg12 : memref<!tpu.dma_semaphore, #tpu.memory_space<semaphore_mem>>) src(%dma_wait3A_60 : memref<160x128xf32, #tpu.memory_space<hbm>>) dst(%arg7 : memref<160x128xf32, #tpu.memory_space<vmem>>)
      %run_scoped3A = arith.constant 1 : i32
      "tpu.region"() ({
        %run_scoped3A_176 = tpu.sem_alloc : memref<!tpu.dma_semaphore, #tpu.memory_space<semaphore_mem>>
        %dma_start3A_177 = arith.constant 0 : i32
        %dma_start3A_178 = tpu.memref_slice %arg5[%run_scoped3A, %dma_start3A_177] : memref<8x160xi32, #tpu.memory_space<vmem>> -> memref<1x160xi32, #tpu.memory_space<vmem>>
        %dma_start3A_179 = tpu.memref_squeeze %dma_start3A_178 : memref<1x160xi32, #tpu.memory_space<vmem>> -> memref<160xi32, #tpu.memory_space<vmem>>
        %dma_start3A_180 = arith.constant 0 : i32
        %dma_start3A_181 = arith.constant 0 : i32
        %dma_start3A_182 = tpu.memref_slice %arg9[%dma_start3A_180, %dma_start3A_181] : memref<10240x128xf32, #tpu.memory_space<vmem_shared>> -> memref<10240x128xf32, #tpu.memory_space<vmem_shared>>
        tpu.enqueue_indirect_dma source(%arg7 : memref<160x128xf32, #tpu.memory_space<vmem>>) target(%dma_start3A_182 : memref<10240x128xf32, #tpu.memory_space<vmem_shared>>) offsets(%dma_start3A_179 : memref<160xi32, #tpu.memory_space<vmem>>) semaphore(%run_scoped3A_176 : memref<!tpu.dma_semaphore, #tpu.memory_space<semaphore_mem>>) {add = true}
        %dma_wait3A_183 = arith.constant 0 : i32
        %dma_wait3A_184 = tpu.memref_slice %arg5[%run_scoped3A, %dma_wait3A_183] : memref<8x160xi32, #tpu.memory_space<vmem>> -> memref<1x160xi32, #tpu.memory_space<vmem>>
        %dma_wait3A_185 = tpu.memref_squeeze %dma_wait3A_184 : memref<1x160xi32, #tpu.memory_space<vmem>> -> memref<160xi32, #tpu.memory_space<vmem>>
        %dma_wait3A_186 = arith.constant 0 : i32
        %dma_wait3A_187 = arith.constant 0 : i32
        %dma_wait3A_188 = tpu.memref_slice %arg9[%dma_wait3A_186, %dma_wait3A_187] : memref<10240x128xf32, #tpu.memory_space<vmem_shared>> -> memref<10240x128xf32, #tpu.memory_space<vmem_shared>>
        tpu.wait_indirect_dma semaphore(%run_scoped3A_176 : memref<!tpu.dma_semaphore, #tpu.memory_space<semaphore_mem>>) src(%arg7 : memref<160x128xf32, #tpu.memory_space<vmem>>) dst(%dma_wait3A_188 : memref<10240x128xf32, #tpu.memory_space<vmem_shared>>)
        tpu.yield
      }) : () -> ()
      %dma_start3A_61 = arith.constant 4 : i32
      %dma_start3A_62 = arith.constant 0 : i32
      %dma_start3A_63 = tpu.memref_slice %arg5[%dma_start3A_61, %dma_start3A_62] : memref<8x160xi32, #tpu.memory_space<vmem>> -> memref<1x160xi32, #tpu.memory_space<vmem>>
      %dma_start3A_64 = tpu.memref_squeeze %dma_start3A_63 : memref<1x160xi32, #tpu.memory_space<vmem>> -> memref<160xi32, #tpu.memory_space<vmem>>
      %dma_start3A_65 = arith.constant 0 : i32
      %dma_start3A_66 = arith.constant 0 : i32
      %dma_start3A_67 = tpu.memref_slice %arg2[%dma_start3A_65, %dma_start3A_66] : memref<20000x128xf32, #tpu.memory_space<hbm>> -> memref<20000x128xf32, #tpu.memory_space<hbm>>
      tpu.enqueue_indirect_dma source(%dma_start3A_67 : memref<20000x128xf32, #tpu.memory_space<hbm>>) target(%arg7 : memref<160x128xf32, #tpu.memory_space<vmem>>) offsets(%dma_start3A_64 : memref<160xi32, #tpu.memory_space<vmem>>) semaphore(%arg12 : memref<!tpu.dma_semaphore, #tpu.memory_space<semaphore_mem>>)
      %dma_wait3A_68 = arith.constant 0 : i32
      %dma_wait3A_69 = arith.constant 0 : i32
      %dma_wait3A_70 = tpu.memref_slice %arg2[%dma_wait3A_68, %dma_wait3A_69] : memref<20000x128xf32, #tpu.memory_space<hbm>> -> memref<160x128xf32, #tpu.memory_space<hbm>>
      %dma_wait3A_71 = arith.constant 0 : i32
      %dma_wait3A_72 = arith.constant 0 : i32
      %dma_wait3A_73 = tpu.memref_slice %arg2[%dma_wait3A_71, %dma_wait3A_72] : memref<20000x128xf32, #tpu.memory_space<hbm>> -> memref<160x128xf32, #tpu.memory_space<hbm>>
      tpu.wait_dma2 semaphore(%arg13 : memref<!tpu.dma_semaphore, #tpu.memory_space<semaphore_mem>>) src(%dma_wait3A_73 : memref<160x128xf32, #tpu.memory_space<hbm>>) dst(%arg8 : memref<160x128xf32, #tpu.memory_space<vmem>>)
      %run_scoped3A_74 = arith.constant 3 : i32
      "tpu.region"() ({
        %run_scoped3A_176 = tpu.sem_alloc : memref<!tpu.dma_semaphore, #tpu.memory_space<semaphore_mem>>
        %dma_start3A_177 = arith.constant 0 : i32
        %dma_start3A_178 = tpu.memref_slice %arg5[%run_scoped3A_74, %dma_start3A_177] : memref<8x160xi32, #tpu.memory_space<vmem>> -> memref<1x160xi32, #tpu.memory_space<vmem>>
        %dma_start3A_179 = tpu.memref_squeeze %dma_start3A_178 : memref<1x160xi32, #tpu.memory_space<vmem>> -> memref<160xi32, #tpu.memory_space<vmem>>
        %dma_start3A_180 = arith.constant 0 : i32
        %dma_start3A_181 = arith.constant 0 : i32
        %dma_start3A_182 = tpu.memref_slice %arg9[%dma_start3A_180, %dma_start3A_181] : memref<10240x128xf32, #tpu.memory_space<vmem_shared>> -> memref<10240x128xf32, #tpu.memory_space<vmem_shared>>
        tpu.enqueue_indirect_dma source(%arg8 : memref<160x128xf32, #tpu.memory_space<vmem>>) target(%dma_start3A_182 : memref<10240x128xf32, #tpu.memory_space<vmem_shared>>) offsets(%dma_start3A_179 : memref<160xi32, #tpu.memory_space<vmem>>) semaphore(%run_scoped3A_176 : memref<!tpu.dma_semaphore, #tpu.memory_space<semaphore_mem>>) {add = true}
        %dma_wait3A_183 = arith.constant 0 : i32
        %dma_wait3A_184 = tpu.memref_slice %arg5[%run_scoped3A_74, %dma_wait3A_183] : memref<8x160xi32, #tpu.memory_space<vmem>> -> memref<1x160xi32, #tpu.memory_space<vmem>>
        %dma_wait3A_185 = tpu.memref_squeeze %dma_wait3A_184 : memref<1x160xi32, #tpu.memory_space<vmem>> -> memref<160xi32, #tpu.memory_space<vmem>>
        %dma_wait3A_186 = arith.constant 0 : i32
        %dma_wait3A_187 = arith.constant 0 : i32
        %dma_wait3A_188 = tpu.memref_slice %arg9[%dma_wait3A_186, %dma_wait3A_187] : memref<10240x128xf32, #tpu.memory_space<vmem_shared>> -> memref<10240x128xf32, #tpu.memory_space<vmem_shared>>
        tpu.wait_indirect_dma semaphore(%run_scoped3A_176 : memref<!tpu.dma_semaphore, #tpu.memory_space<semaphore_mem>>) src(%arg8 : memref<160x128xf32, #tpu.memory_space<vmem>>) dst(%dma_wait3A_188 : memref<10240x128xf32, #tpu.memory_space<vmem_shared>>)
        tpu.yield
      }) : () -> ()
      %dma_start3A_75 = arith.constant 6 : i32
      %dma_start3A_76 = arith.constant 0 : i32
      %dma_start3A_77 = tpu.memref_slice %arg5[%dma_start3A_75, %dma_start3A_76] : memref<8x160xi32, #tpu.memory_space<vmem>> -> memref<1x160xi32, #tpu.memory_space<vmem>>
      %dma_start3A_78 = tpu.memref_squeeze %dma_start3A_77 : memref<1x160xi32, #tpu.memory_space<vmem>> -> memref<160xi32, #tpu.memory_space<vmem>>
      %dma_start3A_79 = arith.constant 0 : i32
      %dma_start3A_80 = arith.constant 0 : i32
      %dma_start3A_81 = tpu.memref_slice %arg2[%dma_start3A_79, %dma_start3A_80] : memref<20000x128xf32, #tpu.memory_space<hbm>> -> memref<20000x128xf32, #tpu.memory_space<hbm>>
      tpu.enqueue_indirect_dma source(%dma_start3A_81 : memref<20000x128xf32, #tpu.memory_space<hbm>>) target(%arg8 : memref<160x128xf32, #tpu.memory_space<vmem>>) offsets(%dma_start3A_78 : memref<160xi32, #tpu.memory_space<vmem>>) semaphore(%arg13 : memref<!tpu.dma_semaphore, #tpu.memory_space<semaphore_mem>>)
      %dma_wait3A_82 = arith.constant 0 : i32
      %dma_wait3A_83 = arith.constant 0 : i32
      %dma_wait3A_84 = tpu.memref_slice %arg2[%dma_wait3A_82, %dma_wait3A_83] : memref<20000x128xf32, #tpu.memory_space<hbm>> -> memref<160x128xf32, #tpu.memory_space<hbm>>
      %dma_wait3A_85 = arith.constant 0 : i32
      %dma_wait3A_86 = arith.constant 0 : i32
      %dma_wait3A_87 = tpu.memref_slice %arg2[%dma_wait3A_85, %dma_wait3A_86] : memref<20000x128xf32, #tpu.memory_space<hbm>> -> memref<160x128xf32, #tpu.memory_space<hbm>>
      tpu.wait_dma2 semaphore(%arg12 : memref<!tpu.dma_semaphore, #tpu.memory_space<semaphore_mem>>) src(%dma_wait3A_87 : memref<160x128xf32, #tpu.memory_space<hbm>>) dst(%arg7 : memref<160x128xf32, #tpu.memory_space<vmem>>)
      %run_scoped3A_88 = arith.constant 5 : i32
      "tpu.region"() ({
        %run_scoped3A_176 = tpu.sem_alloc : memref<!tpu.dma_semaphore, #tpu.memory_space<semaphore_mem>>
        %dma_start3A_177 = arith.constant 0 : i32
        %dma_start3A_178 = tpu.memref_slice %arg5[%run_scoped3A_88, %dma_start3A_177] : memref<8x160xi32, #tpu.memory_space<vmem>> -> memref<1x160xi32, #tpu.memory_space<vmem>>
        %dma_start3A_179 = tpu.memref_squeeze %dma_start3A_178 : memref<1x160xi32, #tpu.memory_space<vmem>> -> memref<160xi32, #tpu.memory_space<vmem>>
        %dma_start3A_180 = arith.constant 0 : i32
        %dma_start3A_181 = arith.constant 0 : i32
        %dma_start3A_182 = tpu.memref_slice %arg9[%dma_start3A_180, %dma_start3A_181] : memref<10240x128xf32, #tpu.memory_space<vmem_shared>> -> memref<10240x128xf32, #tpu.memory_space<vmem_shared>>
        tpu.enqueue_indirect_dma source(%arg7 : memref<160x128xf32, #tpu.memory_space<vmem>>) target(%dma_start3A_182 : memref<10240x128xf32, #tpu.memory_space<vmem_shared>>) offsets(%dma_start3A_179 : memref<160xi32, #tpu.memory_space<vmem>>) semaphore(%run_scoped3A_176 : memref<!tpu.dma_semaphore, #tpu.memory_space<semaphore_mem>>) {add = true}
        %dma_wait3A_183 = arith.constant 0 : i32
        %dma_wait3A_184 = tpu.memref_slice %arg5[%run_scoped3A_88, %dma_wait3A_183] : memref<8x160xi32, #tpu.memory_space<vmem>> -> memref<1x160xi32, #tpu.memory_space<vmem>>
        %dma_wait3A_185 = tpu.memref_squeeze %dma_wait3A_184 : memref<1x160xi32, #tpu.memory_space<vmem>> -> memref<160xi32, #tpu.memory_space<vmem>>
        %dma_wait3A_186 = arith.constant 0 : i32
        %dma_wait3A_187 = arith.constant 0 : i32
        %dma_wait3A_188 = tpu.memref_slice %arg9[%dma_wait3A_186, %dma_wait3A_187] : memref<10240x128xf32, #tpu.memory_space<vmem_shared>> -> memref<10240x128xf32, #tpu.memory_space<vmem_shared>>
        tpu.wait_indirect_dma semaphore(%run_scoped3A_176 : memref<!tpu.dma_semaphore, #tpu.memory_space<semaphore_mem>>) src(%arg7 : memref<160x128xf32, #tpu.memory_space<vmem>>) dst(%dma_wait3A_188 : memref<10240x128xf32, #tpu.memory_space<vmem_shared>>)
        tpu.yield
      }) : () -> ()
      %dma_wait3A_89 = arith.constant 0 : i32
      %dma_wait3A_90 = arith.constant 0 : i32
      %dma_wait3A_91 = tpu.memref_slice %arg3[%dma_wait3A_89, %dma_wait3A_90] : memref<4096x160xi32, #tpu.memory_space<hbm>> -> memref<8x160xi32, #tpu.memory_space<hbm>>
      %dma_wait3A_92 = arith.constant 0 : i32
      %dma_wait3A_93 = arith.constant 0 : i32
      %dma_wait3A_94 = tpu.memref_slice %arg3[%dma_wait3A_92, %dma_wait3A_93] : memref<4096x160xi32, #tpu.memory_space<hbm>> -> memref<8x160xi32, #tpu.memory_space<hbm>>
      tpu.wait_dma2 semaphore(%arg11 : memref<!tpu.dma_semaphore, #tpu.memory_space<semaphore_mem>>) src(%dma_wait3A_94 : memref<8x160xi32, #tpu.memory_space<hbm>>) dst(%arg6 : memref<8x160xi32, #tpu.memory_space<vmem>>)
      %dma_start3A_95 = arith.constant 0 : i32
      %dma_start3A_96 = arith.constant 0 : i32
      %dma_start3A_97 = tpu.memref_slice %arg6[%dma_start3A_95, %dma_start3A_96] : memref<8x160xi32, #tpu.memory_space<vmem>> -> memref<1x160xi32, #tpu.memory_space<vmem>>
      %dma_start3A_98 = tpu.memref_squeeze %dma_start3A_97 : memref<1x160xi32, #tpu.memory_space<vmem>> -> memref<160xi32, #tpu.memory_space<vmem>>
      %dma_start3A_99 = arith.constant 0 : i32
      %dma_start3A_100 = arith.constant 0 : i32
      %dma_start3A_101 = tpu.memref_slice %arg2[%dma_start3A_99, %dma_start3A_100] : memref<20000x128xf32, #tpu.memory_space<hbm>> -> memref<20000x128xf32, #tpu.memory_space<hbm>>
      tpu.enqueue_indirect_dma source(%dma_start3A_101 : memref<20000x128xf32, #tpu.memory_space<hbm>>) target(%arg7 : memref<160x128xf32, #tpu.memory_space<vmem>>) offsets(%dma_start3A_98 : memref<160xi32, #tpu.memory_space<vmem>>) semaphore(%arg12 : memref<!tpu.dma_semaphore, #tpu.memory_space<semaphore_mem>>)
      %dma_wait3A_102 = arith.constant 0 : i32
      %dma_wait3A_103 = arith.constant 0 : i32
      %dma_wait3A_104 = tpu.memref_slice %arg2[%dma_wait3A_102, %dma_wait3A_103] : memref<20000x128xf32, #tpu.memory_space<hbm>> -> memref<160x128xf32, #tpu.memory_space<hbm>>
      %dma_wait3A_105 = arith.constant 0 : i32
      %dma_wait3A_106 = arith.constant 0 : i32
      %dma_wait3A_107 = tpu.memref_slice %arg2[%dma_wait3A_105, %dma_wait3A_106] : memref<20000x128xf32, #tpu.memory_space<hbm>> -> memref<160x128xf32, #tpu.memory_space<hbm>>
      tpu.wait_dma2 semaphore(%arg13 : memref<!tpu.dma_semaphore, #tpu.memory_space<semaphore_mem>>) src(%dma_wait3A_107 : memref<160x128xf32, #tpu.memory_space<hbm>>) dst(%arg8 : memref<160x128xf32, #tpu.memory_space<vmem>>)
      %run_scoped3A_108 = arith.constant 7 : i32
      "tpu.region"() ({
        %run_scoped3A_176 = tpu.sem_alloc : memref<!tpu.dma_semaphore, #tpu.memory_space<semaphore_mem>>
        %dma_start3A_177 = arith.constant 0 : i32
        %dma_start3A_178 = tpu.memref_slice %arg5[%run_scoped3A_108, %dma_start3A_177] : memref<8x160xi32, #tpu.memory_space<vmem>> -> memref<1x160xi32, #tpu.memory_space<vmem>>
        %dma_start3A_179 = tpu.memref_squeeze %dma_start3A_178 : memref<1x160xi32, #tpu.memory_space<vmem>> -> memref<160xi32, #tpu.memory_space<vmem>>
        %dma_start3A_180 = arith.constant 0 : i32
        %dma_start3A_181 = arith.constant 0 : i32
        %dma_start3A_182 = tpu.memref_slice %arg9[%dma_start3A_180, %dma_start3A_181] : memref<10240x128xf32, #tpu.memory_space<vmem_shared>> -> memref<10240x128xf32, #tpu.memory_space<vmem_shared>>
        tpu.enqueue_indirect_dma source(%arg8 : memref<160x128xf32, #tpu.memory_space<vmem>>) target(%dma_start3A_182 : memref<10240x128xf32, #tpu.memory_space<vmem_shared>>) offsets(%dma_start3A_179 : memref<160xi32, #tpu.memory_space<vmem>>) semaphore(%run_scoped3A_176 : memref<!tpu.dma_semaphore, #tpu.memory_space<semaphore_mem>>) {add = true}
        %dma_wait3A_183 = arith.constant 0 : i32
        %dma_wait3A_184 = tpu.memref_slice %arg5[%run_scoped3A_108, %dma_wait3A_183] : memref<8x160xi32, #tpu.memory_space<vmem>> -> memref<1x160xi32, #tpu.memory_space<vmem>>
        %dma_wait3A_185 = tpu.memref_squeeze %dma_wait3A_184 : memref<1x160xi32, #tpu.memory_space<vmem>> -> memref<160xi32, #tpu.memory_space<vmem>>
        %dma_wait3A_186 = arith.constant 0 : i32
        %dma_wait3A_187 = arith.constant 0 : i32
        %dma_wait3A_188 = tpu.memref_slice %arg9[%dma_wait3A_186, %dma_wait3A_187] : memref<10240x128xf32, #tpu.memory_space<vmem_shared>> -> memref<10240x128xf32, #tpu.memory_space<vmem_shared>>
        tpu.wait_indirect_dma semaphore(%run_scoped3A_176 : memref<!tpu.dma_semaphore, #tpu.memory_space<semaphore_mem>>) src(%arg8 : memref<160x128xf32, #tpu.memory_space<vmem>>) dst(%dma_wait3A_188 : memref<10240x128xf32, #tpu.memory_space<vmem_shared>>)
        tpu.yield
      }) : () -> ()
      %add3A_109 = arith.constant 1 : i32
      %add3A_110 = arith.addi %add3A_47, %add3A_109 : i32
      %lt3A = arith.constant 8 : i32
      %lt3A_111 = arith.cmpi slt, %add3A_110, %lt3A : i32
      %convert_element_type3A = arith.extui %lt3A_111 : i1 to i32
      %cond3A = arith.constant 0 : i32
      %cond3A_112 = arith.cmpi ne, %convert_element_type3A, %cond3A : i32
      scf.if %cond3A_112 {
        %mul3A_176 = arith.constant 2 : i32
        %mul3A_177 = arith.muli %mul3A_176, %add3A_47 : i32
        %add3A_178 = arith.constant 2 : i32
        %add3A_179 = arith.addi %mul3A_177, %add3A_178 : i32
        %mul3A_180 = arith.constant 8 : i32
        %mul3A_181 = arith.muli %add3A_179, %mul3A_180 : i32
        %add3A_182 = arith.addi %mul3A_4, %mul3A_181 : i32
        %dma_start3A_183 = arith.constant 0 : i32
        %dma_start3A_184 = tpu.memref_slice %arg3[%add3A_182, %dma_start3A_183] : memref<4096x160xi32, #tpu.memory_space<hbm>> -> memref<8x160xi32, #tpu.memory_space<hbm>>
        %dma_start3A_185 = arith.constant 0 : i32
        %dma_start3A_186 = tpu.memref_slice %arg3[%add3A_182, %dma_start3A_185] : memref<4096x160xi32, #tpu.memory_space<hbm>> -> memref<8x160xi32, #tpu.memory_space<hbm>>
        tpu.enqueue_dma source(%dma_start3A_186 : memref<8x160xi32, #tpu.memory_space<hbm>>) target(%arg5 : memref<8x160xi32, #tpu.memory_space<vmem>>) target_semaphore(%arg10 : memref<!tpu.dma_semaphore, #tpu.memory_space<semaphore_mem>>)
      } else {
      }
      %dma_start3A_113 = arith.constant 2 : i32
      %dma_start3A_114 = arith.constant 0 : i32
      %dma_start3A_115 = tpu.memref_slice %arg6[%dma_start3A_113, %dma_start3A_114] : memref<8x160xi32, #tpu.memory_space<vmem>> -> memref<1x160xi32, #tpu.memory_space<vmem>>
      %dma_start3A_116 = tpu.memref_squeeze %dma_start3A_115 : memref<1x160xi32, #tpu.memory_space<vmem>> -> memref<160xi32, #tpu.memory_space<vmem>>
      %dma_start3A_117 = arith.constant 0 : i32
      %dma_start3A_118 = arith.constant 0 : i32
      %dma_start3A_119 = tpu.memref_slice %arg2[%dma_start3A_117, %dma_start3A_118] : memref<20000x128xf32, #tpu.memory_space<hbm>> -> memref<20000x128xf32, #tpu.memory_space<hbm>>
      tpu.enqueue_indirect_dma source(%dma_start3A_119 : memref<20000x128xf32, #tpu.memory_space<hbm>>) target(%arg8 : memref<160x128xf32, #tpu.memory_space<vmem>>) offsets(%dma_start3A_116 : memref<160xi32, #tpu.memory_space<vmem>>) semaphore(%arg13 : memref<!tpu.dma_semaphore, #tpu.memory_space<semaphore_mem>>)
      %dma_wait3A_120 = arith.constant 0 : i32
      %dma_wait3A_121 = arith.constant 0 : i32
      %dma_wait3A_122 = tpu.memref_slice %arg2[%dma_wait3A_120, %dma_wait3A_121] : memref<20000x128xf32, #tpu.memory_space<hbm>> -> memref<160x128xf32, #tpu.memory_space<hbm>>
      %dma_wait3A_123 = arith.constant 0 : i32
      %dma_wait3A_124 = arith.constant 0 : i32
      %dma_wait3A_125 = tpu.memref_slice %arg2[%dma_wait3A_123, %dma_wait3A_124] : memref<20000x128xf32, #tpu.memory_space<hbm>> -> memref<160x128xf32, #tpu.memory_space<hbm>>
      tpu.wait_dma2 semaphore(%arg12 : memref<!tpu.dma_semaphore, #tpu.memory_space<semaphore_mem>>) src(%dma_wait3A_125 : memref<160x128xf32, #tpu.memory_space<hbm>>) dst(%arg7 : memref<160x128xf32, #tpu.memory_space<vmem>>)
      %run_scoped3A_126 = arith.constant 1 : i32
      "tpu.region"() ({
        %run_scoped3A_176 = tpu.sem_alloc : memref<!tpu.dma_semaphore, #tpu.memory_space<semaphore_mem>>
        %dma_start3A_177 = arith.constant 0 : i32
        %dma_start3A_178 = tpu.memref_slice %arg6[%run_scoped3A_126, %dma_start3A_177] : memref<8x160xi32, #tpu.memory_space<vmem>> -> memref<1x160xi32, #tpu.memory_space<vmem>>
        %dma_start3A_179 = tpu.memref_squeeze %dma_start3A_178 : memref<1x160xi32, #tpu.memory_space<vmem>> -> memref<160xi32, #tpu.memory_space<vmem>>
        %dma_start3A_180 = arith.constant 0 : i32
        %dma_start3A_181 = arith.constant 0 : i32
        %dma_start3A_182 = tpu.memref_slice %arg9[%dma_start3A_180, %dma_start3A_181] : memref<10240x128xf32, #tpu.memory_space<vmem_shared>> -> memref<10240x128xf32, #tpu.memory_space<vmem_shared>>
        tpu.enqueue_indirect_dma source(%arg7 : memref<160x128xf32, #tpu.memory_space<vmem>>) target(%dma_start3A_182 : memref<10240x128xf32, #tpu.memory_space<vmem_shared>>) offsets(%dma_start3A_179 : memref<160xi32, #tpu.memory_space<vmem>>) semaphore(%run_scoped3A_176 : memref<!tpu.dma_semaphore, #tpu.memory_space<semaphore_mem>>) {add = true}
        %dma_wait3A_183 = arith.constant 0 : i32
        %dma_wait3A_184 = tpu.memref_slice %arg6[%run_scoped3A_126, %dma_wait3A_183] : memref<8x160xi32, #tpu.memory_space<vmem>> -> memref<1x160xi32, #tpu.memory_space<vmem>>
        %dma_wait3A_185 = tpu.memref_squeeze %dma_wait3A_184 : memref<1x160xi32, #tpu.memory_space<vmem>> -> memref<160xi32, #tpu.memory_space<vmem>>
        %dma_wait3A_186 = arith.constant 0 : i32
        %dma_wait3A_187 = arith.constant 0 : i32
        %dma_wait3A_188 = tpu.memref_slice %arg9[%dma_wait3A_186, %dma_wait3A_187] : memref<10240x128xf32, #tpu.memory_space<vmem_shared>> -> memref<10240x128xf32, #tpu.memory_space<vmem_shared>>
        tpu.wait_indirect_dma semaphore(%run_scoped3A_176 : memref<!tpu.dma_semaphore, #tpu.memory_space<semaphore_mem>>) src(%arg7 : memref<160x128xf32, #tpu.memory_space<vmem>>) dst(%dma_wait3A_188 : memref<10240x128xf32, #tpu.memory_space<vmem_shared>>)
        tpu.yield
      }) : () -> ()
      %dma_start3A_127 = arith.constant 4 : i32
      %dma_start3A_128 = arith.constant 0 : i32
      %dma_start3A_129 = tpu.memref_slice %arg6[%dma_start3A_127, %dma_start3A_128] : memref<8x160xi32, #tpu.memory_space<vmem>> -> memref<1x160xi32, #tpu.memory_space<vmem>>
      %dma_start3A_130 = tpu.memref_squeeze %dma_start3A_129 : memref<1x160xi32, #tpu.memory_space<vmem>> -> memref<160xi32, #tpu.memory_space<vmem>>
      %dma_start3A_131 = arith.constant 0 : i32
      %dma_start3A_132 = arith.constant 0 : i32
      %dma_start3A_133 = tpu.memref_slice %arg2[%dma_start3A_131, %dma_start3A_132] : memref<20000x128xf32, #tpu.memory_space<hbm>> -> memref<20000x128xf32, #tpu.memory_space<hbm>>
      tpu.enqueue_indirect_dma source(%dma_start3A_133 : memref<20000x128xf32, #tpu.memory_space<hbm>>) target(%arg7 : memref<160x128xf32, #tpu.memory_space<vmem>>) offsets(%dma_start3A_130 : memref<160xi32, #tpu.memory_space<vmem>>) semaphore(%arg12 : memref<!tpu.dma_semaphore, #tpu.memory_space<semaphore_mem>>)
      %dma_wait3A_134 = arith.constant 0 : i32
      %dma_wait3A_135 = arith.constant 0 : i32
      %dma_wait3A_136 = tpu.memref_slice %arg2[%dma_wait3A_134, %dma_wait3A_135] : memref<20000x128xf32, #tpu.memory_space<hbm>> -> memref<160x128xf32, #tpu.memory_space<hbm>>
      %dma_wait3A_137 = arith.constant 0 : i32
      %dma_wait3A_138 = arith.constant 0 : i32
      %dma_wait3A_139 = tpu.memref_slice %arg2[%dma_wait3A_137, %dma_wait3A_138] : memref<20000x128xf32, #tpu.memory_space<hbm>> -> memref<160x128xf32, #tpu.memory_space<hbm>>
      tpu.wait_dma2 semaphore(%arg13 : memref<!tpu.dma_semaphore, #tpu.memory_space<semaphore_mem>>) src(%dma_wait3A_139 : memref<160x128xf32, #tpu.memory_space<hbm>>) dst(%arg8 : memref<160x128xf32, #tpu.memory_space<vmem>>)
      %run_scoped3A_140 = arith.constant 3 : i32
      "tpu.region"() ({
        %run_scoped3A_176 = tpu.sem_alloc : memref<!tpu.dma_semaphore, #tpu.memory_space<semaphore_mem>>
        %dma_start3A_177 = arith.constant 0 : i32
        %dma_start3A_178 = tpu.memref_slice %arg6[%run_scoped3A_140, %dma_start3A_177] : memref<8x160xi32, #tpu.memory_space<vmem>> -> memref<1x160xi32, #tpu.memory_space<vmem>>
        %dma_start3A_179 = tpu.memref_squeeze %dma_start3A_178 : memref<1x160xi32, #tpu.memory_space<vmem>> -> memref<160xi32, #tpu.memory_space<vmem>>
        %dma_start3A_180 = arith.constant 0 : i32
        %dma_start3A_181 = arith.constant 0 : i32
        %dma_start3A_182 = tpu.memref_slice %arg9[%dma_start3A_180, %dma_start3A_181] : memref<10240x128xf32, #tpu.memory_space<vmem_shared>> -> memref<10240x128xf32, #tpu.memory_space<vmem_shared>>
        tpu.enqueue_indirect_dma source(%arg8 : memref<160x128xf32, #tpu.memory_space<vmem>>) target(%dma_start3A_182 : memref<10240x128xf32, #tpu.memory_space<vmem_shared>>) offsets(%dma_start3A_179 : memref<160xi32, #tpu.memory_space<vmem>>) semaphore(%run_scoped3A_176 : memref<!tpu.dma_semaphore, #tpu.memory_space<semaphore_mem>>) {add = true}
        %dma_wait3A_183 = arith.constant 0 : i32
        %dma_wait3A_184 = tpu.memref_slice %arg6[%run_scoped3A_140, %dma_wait3A_183] : memref<8x160xi32, #tpu.memory_space<vmem>> -> memref<1x160xi32, #tpu.memory_space<vmem>>
        %dma_wait3A_185 = tpu.memref_squeeze %dma_wait3A_184 : memref<1x160xi32, #tpu.memory_space<vmem>> -> memref<160xi32, #tpu.memory_space<vmem>>
        %dma_wait3A_186 = arith.constant 0 : i32
        %dma_wait3A_187 = arith.constant 0 : i32
        %dma_wait3A_188 = tpu.memref_slice %arg9[%dma_wait3A_186, %dma_wait3A_187] : memref<10240x128xf32, #tpu.memory_space<vmem_shared>> -> memref<10240x128xf32, #tpu.memory_space<vmem_shared>>
        tpu.wait_indirect_dma semaphore(%run_scoped3A_176 : memref<!tpu.dma_semaphore, #tpu.memory_space<semaphore_mem>>) src(%arg8 : memref<160x128xf32, #tpu.memory_space<vmem>>) dst(%dma_wait3A_188 : memref<10240x128xf32, #tpu.memory_space<vmem_shared>>)
        tpu.yield
      }) : () -> ()
      %dma_start3A_141 = arith.constant 6 : i32
      %dma_start3A_142 = arith.constant 0 : i32
      %dma_start3A_143 = tpu.memref_slice %arg6[%dma_start3A_141, %dma_start3A_142] : memref<8x160xi32, #tpu.memory_space<vmem>> -> memref<1x160xi32, #tpu.memory_space<vmem>>
      %dma_start3A_144 = tpu.memref_squeeze %dma_start3A_143 : memref<1x160xi32, #tpu.memory_space<vmem>> -> memref<160xi32, #tpu.memory_space<vmem>>
      %dma_start3A_145 = arith.constant 0 : i32
      %dma_start3A_146 = arith.constant 0 : i32
      %dma_start3A_147 = tpu.memref_slice %arg2[%dma_start3A_145, %dma_start3A_146] : memref<20000x128xf32, #tpu.memory_space<hbm>> -> memref<20000x128xf32, #tpu.memory_space<hbm>>
      tpu.enqueue_indirect_dma source(%dma_start3A_147 : memref<20000x128xf32, #tpu.memory_space<hbm>>) target(%arg8 : memref<160x128xf32, #tpu.memory_space<vmem>>) offsets(%dma_start3A_144 : memref<160xi32, #tpu.memory_space<vmem>>) semaphore(%arg13 : memref<!tpu.dma_semaphore, #tpu.memory_space<semaphore_mem>>)
      %dma_wait3A_148 = arith.constant 0 : i32
      %dma_wait3A_149 = arith.constant 0 : i32
      %dma_wait3A_150 = tpu.memref_slice %arg2[%dma_wait3A_148, %dma_wait3A_149] : memref<20000x128xf32, #tpu.memory_space<hbm>> -> memref<160x128xf32, #tpu.memory_space<hbm>>
      %dma_wait3A_151 = arith.constant 0 : i32
      %dma_wait3A_152 = arith.constant 0 : i32
      %dma_wait3A_153 = tpu.memref_slice %arg2[%dma_wait3A_151, %dma_wait3A_152] : memref<20000x128xf32, #tpu.memory_space<hbm>> -> memref<160x128xf32, #tpu.memory_space<hbm>>
      tpu.wait_dma2 semaphore(%arg12 : memref<!tpu.dma_semaphore, #tpu.memory_space<semaphore_mem>>) src(%dma_wait3A_153 : memref<160x128xf32, #tpu.memory_space<hbm>>) dst(%arg7 : memref<160x128xf32, #tpu.memory_space<vmem>>)
      %run_scoped3A_154 = arith.constant 5 : i32
      "tpu.region"() ({
        %run_scoped3A_176 = tpu.sem_alloc : memref<!tpu.dma_semaphore, #tpu.memory_space<semaphore_mem>>
        %dma_start3A_177 = arith.constant 0 : i32
        %dma_start3A_178 = tpu.memref_slice %arg6[%run_scoped3A_154, %dma_start3A_177] : memref<8x160xi32, #tpu.memory_space<vmem>> -> memref<1x160xi32, #tpu.memory_space<vmem>>
        %dma_start3A_179 = tpu.memref_squeeze %dma_start3A_178 : memref<1x160xi32, #tpu.memory_space<vmem>> -> memref<160xi32, #tpu.memory_space<vmem>>
        %dma_start3A_180 = arith.constant 0 : i32
        %dma_start3A_181 = arith.constant 0 : i32
        %dma_start3A_182 = tpu.memref_slice %arg9[%dma_start3A_180, %dma_start3A_181] : memref<10240x128xf32, #tpu.memory_space<vmem_shared>> -> memref<10240x128xf32, #tpu.memory_space<vmem_shared>>
        tpu.enqueue_indirect_dma source(%arg7 : memref<160x128xf32, #tpu.memory_space<vmem>>) target(%dma_start3A_182 : memref<10240x128xf32, #tpu.memory_space<vmem_shared>>) offsets(%dma_start3A_179 : memref<160xi32, #tpu.memory_space<vmem>>) semaphore(%run_scoped3A_176 : memref<!tpu.dma_semaphore, #tpu.memory_space<semaphore_mem>>) {add = true}
        %dma_wait3A_183 = arith.constant 0 : i32
        %dma_wait3A_184 = tpu.memref_slice %arg6[%run_scoped3A_154, %dma_wait3A_183] : memref<8x160xi32, #tpu.memory_space<vmem>> -> memref<1x160xi32, #tpu.memory_space<vmem>>
        %dma_wait3A_185 = tpu.memref_squeeze %dma_wait3A_184 : memref<1x160xi32, #tpu.memory_space<vmem>> -> memref<160xi32, #tpu.memory_space<vmem>>
        %dma_wait3A_186 = arith.constant 0 : i32
        %dma_wait3A_187 = arith.constant 0 : i32
        %dma_wait3A_188 = tpu.memref_slice %arg9[%dma_wait3A_186, %dma_wait3A_187] : memref<10240x128xf32, #tpu.memory_space<vmem_shared>> -> memref<10240x128xf32, #tpu.memory_space<vmem_shared>>
        tpu.wait_indirect_dma semaphore(%run_scoped3A_176 : memref<!tpu.dma_semaphore, #tpu.memory_space<semaphore_mem>>) src(%arg7 : memref<160x128xf32, #tpu.memory_space<vmem>>) dst(%dma_wait3A_188 : memref<10240x128xf32, #tpu.memory_space<vmem_shared>>)
        tpu.yield
      }) : () -> ()
      %add3A_155 = arith.constant 1 : i32
      %add3A_156 = arith.addi %add3A_47, %add3A_155 : i32
      %lt3A_157 = arith.constant 8 : i32
      %lt3A_158 = arith.cmpi slt, %add3A_156, %lt3A_157 : i32
      %convert_element_type3A_159 = arith.extui %lt3A_158 : i1 to i32
      %cond3A_160 = arith.constant 0 : i32
      %cond3A_161 = arith.cmpi ne, %convert_element_type3A_159, %cond3A_160 : i32
      scf.if %cond3A_161 {
        %dma_wait3A_176 = arith.constant 0 : i32
        %dma_wait3A_177 = arith.constant 0 : i32
        %dma_wait3A_178 = tpu.memref_slice %arg3[%dma_wait3A_176, %dma_wait3A_177] : memref<4096x160xi32, #tpu.memory_space<hbm>> -> memref<8x160xi32, #tpu.memory_space<hbm>>
        %dma_wait3A_179 = arith.constant 0 : i32
        %dma_wait3A_180 = arith.constant 0 : i32
        %dma_wait3A_181 = tpu.memref_slice %arg3[%dma_wait3A_179, %dma_wait3A_180] : memref<4096x160xi32, #tpu.memory_space<hbm>> -> memref<8x160xi32, #tpu.memory_space<hbm>>
        tpu.wait_dma2 semaphore(%arg10 : memref<!tpu.dma_semaphore, #tpu.memory_space<semaphore_mem>>) src(%dma_wait3A_181 : memref<8x160xi32, #tpu.memory_space<hbm>>) dst(%arg5 : memref<8x160xi32, #tpu.memory_space<vmem>>)
        %dma_start3A_182 = arith.constant 0 : i32
        %dma_start3A_183 = arith.constant 0 : i32
        %dma_start3A_184 = tpu.memref_slice %arg5[%dma_start3A_182, %dma_start3A_183] : memref<8x160xi32, #tpu.memory_space<vmem>> -> memref<1x160xi32, #tpu.memory_space<vmem>>
        %dma_start3A_185 = tpu.memref_squeeze %dma_start3A_184 : memref<1x160xi32, #tpu.memory_space<vmem>> -> memref<160xi32, #tpu.memory_space<vmem>>
        %dma_start3A_186 = arith.constant 0 : i32
        %dma_start3A_187 = arith.constant 0 : i32
        %dma_start3A_188 = tpu.memref_slice %arg2[%dma_start3A_186, %dma_start3A_187] : memref<20000x128xf32, #tpu.memory_space<hbm>> -> memref<20000x128xf32, #tpu.memory_space<hbm>>
        tpu.enqueue_indirect_dma source(%dma_start3A_188 : memref<20000x128xf32, #tpu.memory_space<hbm>>) target(%arg7 : memref<160x128xf32, #tpu.memory_space<vmem>>) offsets(%dma_start3A_185 : memref<160xi32, #tpu.memory_space<vmem>>) semaphore(%arg12 : memref<!tpu.dma_semaphore, #tpu.memory_space<semaphore_mem>>)
      } else {
      }
      %dma_wait3A_162 = arith.constant 0 : i32
      %dma_wait3A_163 = arith.constant 0 : i32
      %dma_wait3A_164 = tpu.memref_slice %arg2[%dma_wait3A_162, %dma_wait3A_163] : memref<20000x128xf32, #tpu.memory_space<hbm>> -> memref<160x128xf32, #tpu.memory_space<hbm>>
      %dma_wait3A_165 = arith.constant 0 : i32
      %dma_wait3A_166 = arith.constant 0 : i32
      %dma_wait3A_167 = tpu.memref_slice %arg2[%dma_wait3A_165, %dma_wait3A_166] : memref<20000x128xf32, #tpu.memory_space<hbm>> -> memref<160x128xf32, #tpu.memory_space<hbm>>
      tpu.wait_dma2 semaphore(%arg13 : memref<!tpu.dma_semaphore, #tpu.memory_space<semaphore_mem>>) src(%dma_wait3A_167 : memref<160x128xf32, #tpu.memory_space<hbm>>) dst(%arg8 : memref<160x128xf32, #tpu.memory_space<vmem>>)
      %run_scoped3A_168 = arith.constant 7 : i32
      "tpu.region"() ({
        %run_scoped3A_176 = tpu.sem_alloc : memref<!tpu.dma_semaphore, #tpu.memory_space<semaphore_mem>>
        %dma_start3A_177 = arith.constant 0 : i32
        %dma_start3A_178 = tpu.memref_slice %arg6[%run_scoped3A_168, %dma_start3A_177] : memref<8x160xi32, #tpu.memory_space<vmem>> -> memref<1x160xi32, #tpu.memory_space<vmem>>
        %dma_start3A_179 = tpu.memref_squeeze %dma_start3A_178 : memref<1x160xi32, #tpu.memory_space<vmem>> -> memref<160xi32, #tpu.memory_space<vmem>>
        %dma_start3A_180 = arith.constant 0 : i32
        %dma_start3A_181 = arith.constant 0 : i32
        %dma_start3A_182 = tpu.memref_slice %arg9[%dma_start3A_180, %dma_start3A_181] : memref<10240x128xf32, #tpu.memory_space<vmem_shared>> -> memref<10240x128xf32, #tpu.memory_space<vmem_shared>>
        tpu.enqueue_indirect_dma source(%arg8 : memref<160x128xf32, #tpu.memory_space<vmem>>) target(%dma_start3A_182 : memref<10240x128xf32, #tpu.memory_space<vmem_shared>>) offsets(%dma_start3A_179 : memref<160xi32, #tpu.memory_space<vmem>>) semaphore(%run_scoped3A_176 : memref<!tpu.dma_semaphore, #tpu.memory_space<semaphore_mem>>) {add = true}
        %dma_wait3A_183 = arith.constant 0 : i32
        %dma_wait3A_184 = tpu.memref_slice %arg6[%run_scoped3A_168, %dma_wait3A_183] : memref<8x160xi32, #tpu.memory_space<vmem>> -> memref<1x160xi32, #tpu.memory_space<vmem>>
        %dma_wait3A_185 = tpu.memref_squeeze %dma_wait3A_184 : memref<1x160xi32, #tpu.memory_space<vmem>> -> memref<160xi32, #tpu.memory_space<vmem>>
        %dma_wait3A_186 = arith.constant 0 : i32
        %dma_wait3A_187 = arith.constant 0 : i32
        %dma_wait3A_188 = tpu.memref_slice %arg9[%dma_wait3A_186, %dma_wait3A_187] : memref<10240x128xf32, #tpu.memory_space<vmem_shared>> -> memref<10240x128xf32, #tpu.memory_space<vmem_shared>>
        tpu.wait_indirect_dma semaphore(%run_scoped3A_176 : memref<!tpu.dma_semaphore, #tpu.memory_space<semaphore_mem>>) src(%arg8 : memref<160x128xf32, #tpu.memory_space<vmem>>) dst(%dma_wait3A_188 : memref<10240x128xf32, #tpu.memory_space<vmem_shared>>)
        tpu.yield
      }) : () -> ()
      %add3A_169 = arith.constant 1 : i32
      %add3A_170 = arith.addi %add3A_47, %add3A_169 : i32
      %lt3A_171 = arith.constant 8 : i32
      %lt3A_172 = arith.cmpi slt, %add3A_170, %lt3A_171 : i32
      %convert_element_type3A_173 = arith.extui %lt3A_172 : i1 to i32
      %cond3A_174 = arith.constant 0 : i32
      %cond3A_175 = arith.cmpi ne, %convert_element_type3A_173, %cond3A_174 : i32
      scf.if %cond3A_175 {
        %mul3A_176 = arith.constant 2 : i32
        %mul3A_177 = arith.muli %mul3A_176, %add3A_47 : i32
        %add3A_178 = arith.constant 3 : i32
        %add3A_179 = arith.addi %mul3A_177, %add3A_178 : i32
        %mul3A_180 = arith.constant 8 : i32
        %mul3A_181 = arith.muli %add3A_179, %mul3A_180 : i32
        %add3A_182 = arith.addi %mul3A_4, %mul3A_181 : i32
        %dma_start3A_183 = arith.constant 0 : i32
        %dma_start3A_184 = tpu.memref_slice %arg3[%add3A_182, %dma_start3A_183] : memref<4096x160xi32, #tpu.memory_space<hbm>> -> memref<8x160xi32, #tpu.memory_space<hbm>>
        %dma_start3A_185 = arith.constant 0 : i32
        %dma_start3A_186 = tpu.memref_slice %arg3[%add3A_182, %dma_start3A_185] : memref<4096x160xi32, #tpu.memory_space<hbm>> -> memref<8x160xi32, #tpu.memory_space<hbm>>
        tpu.enqueue_dma source(%dma_start3A_186 : memref<8x160xi32, #tpu.memory_space<hbm>>) target(%arg6 : memref<8x160xi32, #tpu.memory_space<vmem>>) target_semaphore(%arg11 : memref<!tpu.dma_semaphore, #tpu.memory_space<semaphore_mem>>)
      } else {
      }
    }
    %scan3A_34 = arith.constant 8 : i32
    %barrier3A_35 = arith.constant 0 : index
    tpu.barrier barrier_id(%barrier3A_35)
    %mul3A_36 = arith.constant 625 : i32
    %mul3A_37 = arith.muli %arg1, %mul3A_36 : i32
    %mul3A_38 = arith.constant 10000 : i32
    %mul3A_39 = arith.muli %arg0, %mul3A_38 : i32
    %mul3A_40 = arith.constant 625 : i32
    %mul3A_41 = arith.muli %arg1, %mul3A_40 : i32
    %add3A_42 = arith.addi %mul3A_39, %mul3A_41 : i32
    "tpu.region"() ({
      %run_scoped3A = tpu.sem_alloc : memref<!tpu.dma_semaphore, #tpu.memory_space<semaphore_mem>>
      %dma_start3A_43 = arith.constant 0 : i32
      %dma_start3A_44 = tpu.memref_slice %arg4[%add3A_42, %dma_start3A_43] : memref<20000x128xf32, #tpu.memory_space<hbm>> -> memref<625x128xf32, #tpu.memory_space<hbm>>
      %dma_start3A_45 = arith.constant 0 : i32
      %dma_start3A_46 = tpu.memref_slice %arg9[%mul3A_37, %dma_start3A_45] : memref<10240x128xf32, #tpu.memory_space<vmem_shared>> -> memref<625x128xf32, #tpu.memory_space<vmem_shared>>
      tpu.enqueue_dma source(%dma_start3A_46 : memref<625x128xf32, #tpu.memory_space<vmem_shared>>) target(%dma_start3A_44 : memref<625x128xf32, #tpu.memory_space<hbm>>) target_semaphore(%run_scoped3A : memref<!tpu.dma_semaphore, #tpu.memory_space<semaphore_mem>>)
      %dma_wait3A_47 = arith.constant 0 : i32
      %dma_wait3A_48 = tpu.memref_slice %arg4[%add3A_42, %dma_wait3A_47] : memref<20000x128xf32, #tpu.memory_space<hbm>> -> memref<625x128xf32, #tpu.memory_space<hbm>>
      %dma_wait3A_49 = arith.constant 0 : i32
      %dma_wait3A_50 = tpu.memref_slice %arg9[%mul3A_37, %dma_wait3A_49] : memref<10240x128xf32, #tpu.memory_space<vmem_shared>> -> memref<625x128xf32, #tpu.memory_space<vmem_shared>>
      tpu.wait_dma2 semaphore(%run_scoped3A : memref<!tpu.dma_semaphore, #tpu.memory_space<semaphore_mem>>) src(%dma_wait3A_50 : memref<625x128xf32, #tpu.memory_space<vmem_shared>>) dst(%dma_wait3A_48 : memref<625x128xf32, #tpu.memory_space<hbm>>)
      tpu.yield
    }) : () -> ()
    return
  }
}

module attributes {stable_mosaic.version = 14 : i64} {
  func.func @_mm1_body(%arg0: i32, %arg1: memref<1000x256xf32, #tpu.memory_space<vmem>>, %arg2: memref<256x256xf32, #tpu.memory_space<vmem>>, %arg3: memref<1000x2xf32, #tpu.memory_space<vmem>>, %arg4: memref<2x1000x128xf32, #tpu.memory_space<vmem>>) attributes {dimension_semantics = [#tpu.dimension_semantics<arbitrary>], iteration_bounds = array<i64: 10>, scalar_prefetch = 0 : i64, scratch_operands = 0 : i64, tpu.core_type = #tpu.core_type<tc>, window_params = [{transform_indices = @transform_0, window_bounds = array<i64: 1000, 256>}, {pipeline_mode = #tpu.pipeline_mode<synchronous>, transform_indices = @transform_1, window_bounds = array<i64: 256, 256>}, {transform_indices = @transform_2, window_bounds = array<i64: 1000, 2>}, {transform_indices = @transform_3, window_bounds = array<i64: 2, 1000, 128>}]} {
    %get3A = arith.constant 0 : index
    %get3A_0 = arith.constant 0 : index
    %get3A_1 = vector.load %arg3[%get3A, %get3A_0] : memref<1000x2xf32, #tpu.memory_space<vmem>>, vector<1000x1xf32>
    %get3A_2 = vector.shape_cast %get3A_1 : vector<1000x1xf32> to vector<1000xf32>
    %get3A_3 = arith.constant 0 : index
    %get3A_4 = arith.constant 1 : index
    %get3A_5 = vector.load %arg3[%get3A_3, %get3A_4] : memref<1000x2xf32, #tpu.memory_space<vmem>>, vector<1000x1xf32>
    %get3A_6 = vector.shape_cast %get3A_5 : vector<1000x1xf32> to vector<1000xf32>
    %add3A = arith.addf %get3A_2, %get3A_6 : vector<1000xf32>
    %add3A_7 = arith.constant 1.000000e+00 : f32
    %add3A_8 = vector.broadcast %add3A_7 : f32 to vector<1000xf32>
    %add3A_9 = arith.addf %add3A, %add3A_8 : vector<1000xf32>
    %rsqrt3A = math.rsqrt %add3A_9 : vector<1000xf32>
    %broadcast_in_dim3A = vector.shape_cast %rsqrt3A : vector<1000xf32> to vector<1000x1xf32>
    %get3A_10 = arith.constant 0 : index
    %get3A_11 = arith.constant 0 : index
    %get3A_12 = vector.load %arg1[%get3A_10, %get3A_11] : memref<1000x256xf32, #tpu.memory_space<vmem>>, vector<1000x256xf32>
    %get3A_13 = arith.constant 0 : index
    %get3A_14 = arith.constant 0 : index
    %get3A_15 = vector.load %arg2[%get3A_13, %get3A_14] : memref<256x256xf32, #tpu.memory_space<vmem>>, vector<256x256xf32>
    %dot_general3A = arith.constant dense<0.000000e+00> : vector<1000x256xf32>
    %dot_general3A_16 = tpu.matmul %get3A_12, %get3A_15, %dot_general3A {dimension_numbers = #tpu.dot_dimension_numbers<[1], [0], [0], [1], [0, 0, 1, 1], [], []>, transpose_lhs_hint = false} : vector<1000x256xf32>, vector<256x256xf32>, vector<1000x256xf32> -> vector<1000x256xf32>
    %slice3A = vector.extract_strided_slice %dot_general3A_16 {offsets = [0, 0], sizes = [1000, 128], strides = [1, 1]} : vector<1000x256xf32> to vector<1000x128xf32>
    %mul3A = vector.broadcast %broadcast_in_dim3A : vector<1000x1xf32> to vector<1000x128xf32>
    %mul3A_17 = arith.mulf %slice3A, %mul3A : vector<1000x128xf32>
    %swap3A = arith.constant 0 : index
    %swap3A_18 = arith.constant 0 : index
    %swap3A_19 = arith.constant 0 : index
    %swap3A_20 = vector.load %arg4[%swap3A, %swap3A_18, %swap3A_19] : memref<2x1000x128xf32, #tpu.memory_space<vmem>>, vector<1x1000x128xf32>
    %swap3A_21 = vector.shape_cast %swap3A_20 : vector<1x1000x128xf32> to vector<1000x128xf32>
    %swap3A_22 = vector.shape_cast %mul3A_17 : vector<1000x128xf32> to vector<1x1000x128xf32>
    tpu.vector_store %arg4[%swap3A, %swap3A_18, %swap3A_19], %swap3A_22 {strides = array<i32>} : memref<2x1000x128xf32, #tpu.memory_space<vmem>>, vector<1x1000x128xf32>,
    %slice3A_23 = vector.extract_strided_slice %dot_general3A_16 {offsets = [0, 128], sizes = [1000, 128], strides = [1, 1]} : vector<1000x256xf32> to vector<1000x128xf32>
    %mul3A_24 = vector.broadcast %broadcast_in_dim3A : vector<1000x1xf32> to vector<1000x128xf32>
    %mul3A_25 = arith.mulf %slice3A_23, %mul3A_24 : vector<1000x128xf32>
    %swap3A_26 = arith.constant 1 : index
    %swap3A_27 = arith.constant 0 : index
    %swap3A_28 = arith.constant 0 : index
    %swap3A_29 = vector.load %arg4[%swap3A_26, %swap3A_27, %swap3A_28] : memref<2x1000x128xf32, #tpu.memory_space<vmem>>, vector<1x1000x128xf32>
    %swap3A_30 = vector.shape_cast %swap3A_29 : vector<1x1000x128xf32> to vector<1000x128xf32>
    %swap3A_31 = vector.shape_cast %mul3A_25 : vector<1000x128xf32> to vector<1x1000x128xf32>
    tpu.vector_store %arg4[%swap3A_26, %swap3A_27, %swap3A_28], %swap3A_31 {strides = array<i32>} : memref<2x1000x128xf32, #tpu.memory_space<vmem>>, vector<1x1000x128xf32>,
    return
  }
  func.func @transform_0(%arg0: i32) -> (i32, i32) {
    %c0_i32 = arith.constant 0 : i32
    %c0_i32_0 = arith.constant 0 : i32
    return %arg0, %c0_i32 : i32, i32
  }
  func.func @transform_1(%arg0: i32) -> (i32, i32) {
    %c0_i32 = arith.constant 0 : i32
    %c0_i32_0 = arith.constant 0 : i32
    %c0_i32_1 = arith.constant 0 : i32
    return %c0_i32, %c0_i32_0 : i32, i32
  }
  func.func @transform_2(%arg0: i32) -> (i32, i32) {
    %c0_i32 = arith.constant 0 : i32
    %c0_i32_0 = arith.constant 0 : i32
    return %arg0, %c0_i32 : i32, i32
  }
  func.func @transform_3(%arg0: i32) -> (i32, i32, i32) {
    %c0_i32 = arith.constant 0 : i32
    %c0_i32_0 = arith.constant 0 : i32
    %c0_i32_1 = arith.constant 0 : i32
    return %c0_i32, %arg0, %c0_i32_0 : i32, i32, i32
  }
}

module attributes {stable_mosaic.version = 14 : i64} {
  func.func @_layer2_body(%arg0: i32, %arg1: memref<2x1000x128xf32, #tpu.memory_space<vmem>>, %arg2: memref<1000x2xf32, #tpu.memory_space<vmem>>, %arg3: memref<1x256xf32, #tpu.memory_space<vmem>>, %arg4: memref<256x64xf32, #tpu.memory_space<vmem>>, %arg5: memref<2x1000x32xf32, #tpu.memory_space<vmem>>) attributes {dimension_semantics = [#tpu.dimension_semantics<arbitrary>], iteration_bounds = array<i64: 10>, scalar_prefetch = 0 : i64, scratch_operands = 0 : i64, tpu.core_type = #tpu.core_type<tc>, window_params = [{transform_indices = @transform_0, window_bounds = array<i64: 2, 1000, 128>}, {transform_indices = @transform_1, window_bounds = array<i64: 1000, 2>}, {pipeline_mode = #tpu.pipeline_mode<synchronous>, transform_indices = @transform_2, window_bounds = array<i64: 1, 256>}, {pipeline_mode = #tpu.pipeline_mode<synchronous>, transform_indices = @transform_3, window_bounds = array<i64: 256, 64>}, {transform_indices = @transform_4, window_bounds = array<i64: 2, 1000, 32>}]} {
    %get3A = arith.constant 0 : index
    %get3A_0 = arith.constant 0 : index
    %get3A_1 = vector.load %arg2[%get3A, %get3A_0] : memref<1000x2xf32, #tpu.memory_space<vmem>>, vector<1000x1xf32>
    %get3A_2 = vector.shape_cast %get3A_1 : vector<1000x1xf32> to vector<1000xf32>
    %get3A_3 = arith.constant 0 : index
    %get3A_4 = arith.constant 1 : index
    %get3A_5 = vector.load %arg2[%get3A_3, %get3A_4] : memref<1000x2xf32, #tpu.memory_space<vmem>>, vector<1000x1xf32>
    %get3A_6 = vector.shape_cast %get3A_5 : vector<1000x1xf32> to vector<1000xf32>
    %add3A = arith.addf %get3A_2, %get3A_6 : vector<1000xf32>
    %add3A_7 = arith.constant 1.000000e+00 : f32
    %add3A_8 = vector.broadcast %add3A_7 : f32 to vector<1000xf32>
    %add3A_9 = arith.addf %add3A, %add3A_8 : vector<1000xf32>
    %rsqrt3A = math.rsqrt %add3A_9 : vector<1000xf32>
    %broadcast_in_dim3A = vector.shape_cast %rsqrt3A : vector<1000xf32> to vector<1000x1xf32>
    %get3A_10 = arith.constant 0 : index
    %get3A_11 = arith.constant 0 : index
    %get3A_12 = arith.constant 0 : index
    %get3A_13 = vector.load %arg1[%get3A_10, %get3A_11, %get3A_12] : memref<2x1000x128xf32, #tpu.memory_space<vmem>>, vector<1x1000x128xf32>
    %get3A_14 = vector.shape_cast %get3A_13 : vector<1x1000x128xf32> to vector<1000x128xf32>
    %mul3A = vector.broadcast %broadcast_in_dim3A : vector<1000x1xf32> to vector<1000x128xf32>
    %mul3A_15 = arith.mulf %get3A_14, %mul3A : vector<1000x128xf32>
    %get3A_16 = arith.constant 0 : index
    %get3A_17 = arith.constant 0 : index
    %get3A_18 = vector.load %arg3[%get3A_16, %get3A_17] : memref<1x256xf32, #tpu.memory_space<vmem>>, vector<1x128xf32>
    %get3A_19 = vector.shape_cast %get3A_18 : vector<1x128xf32> to vector<128xf32>
    %broadcast_in_dim3A_20 = vector.shape_cast %get3A_19 : vector<128xf32> to vector<1x128xf32>
    %add3A_21 = vector.broadcast %broadcast_in_dim3A_20 : vector<1x128xf32> to vector<1000x128xf32>
    %add3A_22 = arith.addf %mul3A_15, %add3A_21 : vector<1000x128xf32>
    %max3A = arith.constant 0.000000e+00 : f32
    %max3A_23 = vector.broadcast %max3A : f32 to vector<1000x128xf32>
    %max3A_24 = arith.maximumf %add3A_22, %max3A_23 : vector<1000x128xf32>
    %get3A_25 = arith.constant 1 : index
    %get3A_26 = arith.constant 0 : index
    %get3A_27 = arith.constant 0 : index
    %get3A_28 = vector.load %arg1[%get3A_25, %get3A_26, %get3A_27] : memref<2x1000x128xf32, #tpu.memory_space<vmem>>, vector<1x1000x128xf32>
    %get3A_29 = vector.shape_cast %get3A_28 : vector<1x1000x128xf32> to vector<1000x128xf32>
    %mul3A_30 = vector.broadcast %broadcast_in_dim3A : vector<1000x1xf32> to vector<1000x128xf32>
    %mul3A_31 = arith.mulf %get3A_29, %mul3A_30 : vector<1000x128xf32>
    %get3A_32 = arith.constant 0 : index
    %get3A_33 = arith.constant 128 : index
    %get3A_34 = vector.load %arg3[%get3A_32, %get3A_33] : memref<1x256xf32, #tpu.memory_space<vmem>>, vector<1x128xf32>
    %get3A_35 = vector.shape_cast %get3A_34 : vector<1x128xf32> to vector<128xf32>
    %broadcast_in_dim3A_36 = vector.shape_cast %get3A_35 : vector<128xf32> to vector<1x128xf32>
    %add3A_37 = vector.broadcast %broadcast_in_dim3A_36 : vector<1x128xf32> to vector<1000x128xf32>
    %add3A_38 = arith.addf %mul3A_31, %add3A_37 : vector<1000x128xf32>
    %max3A_39 = arith.constant 0.000000e+00 : f32
    %max3A_40 = vector.broadcast %max3A_39 : f32 to vector<1000x128xf32>
    %max3A_41 = arith.maximumf %add3A_38, %max3A_40 : vector<1000x128xf32>
    %get3A_42 = arith.constant 0 : index
    %get3A_43 = arith.constant 0 : index
    %get3A_44 = vector.load %arg4[%get3A_42, %get3A_43] : memref<256x64xf32, #tpu.memory_space<vmem>>, vector<128x64xf32>
    %dot_general3A = arith.constant dense<0.000000e+00> : vector<1000x64xf32>
    %dot_general3A_45 = tpu.matmul %max3A_24, %get3A_44, %dot_general3A {dimension_numbers = #tpu.dot_dimension_numbers<[1], [0], [0], [1], [0, 0, 1, 1], [], []>, transpose_lhs_hint = false} : vector<1000x128xf32>, vector<128x64xf32>, vector<1000x64xf32> -> vector<1000x64xf32>
    %get3A_46 = arith.constant 128 : index
    %get3A_47 = arith.constant 0 : index
    %get3A_48 = vector.load %arg4[%get3A_46, %get3A_47] : memref<256x64xf32, #tpu.memory_space<vmem>>, vector<128x64xf32>
    %dot_general3A_49 = arith.constant dense<0.000000e+00> : vector<1000x64xf32>
    %dot_general3A_50 = tpu.matmul %max3A_41, %get3A_48, %dot_general3A_49 {dimension_numbers = #tpu.dot_dimension_numbers<[1], [0], [0], [1], [0, 0, 1, 1], [], []>, transpose_lhs_hint = false} : vector<1000x128xf32>, vector<128x64xf32>, vector<1000x64xf32> -> vector<1000x64xf32>
    %add3A_51 = arith.addf %dot_general3A_45, %dot_general3A_50 : vector<1000x64xf32>
    %mul3A_52 = vector.broadcast %broadcast_in_dim3A : vector<1000x1xf32> to vector<1000x64xf32>
    %mul3A_53 = arith.mulf %add3A_51, %mul3A_52 : vector<1000x64xf32>
    %slice3A = vector.extract_strided_slice %mul3A_53 {offsets = [0, 0], sizes = [1000, 32], strides = [1, 1]} : vector<1000x64xf32> to vector<1000x32xf32>
    %swap3A = arith.constant 0 : index
    %swap3A_54 = arith.constant 0 : index
    %swap3A_55 = arith.constant 0 : index
    %swap3A_56 = vector.load %arg5[%swap3A, %swap3A_54, %swap3A_55] : memref<2x1000x32xf32, #tpu.memory_space<vmem>>, vector<1x1000x32xf32>
    %swap3A_57 = vector.shape_cast %swap3A_56 : vector<1x1000x32xf32> to vector<1000x32xf32>
    %swap3A_58 = vector.shape_cast %slice3A : vector<1000x32xf32> to vector<1x1000x32xf32>
    tpu.vector_store %arg5[%swap3A, %swap3A_54, %swap3A_55], %swap3A_58 {strides = array<i32>} : memref<2x1000x32xf32, #tpu.memory_space<vmem>>, vector<1x1000x32xf32>,
    %slice3A_59 = vector.extract_strided_slice %mul3A_53 {offsets = [0, 32], sizes = [1000, 32], strides = [1, 1]} : vector<1000x64xf32> to vector<1000x32xf32>
    %swap3A_60 = arith.constant 1 : index
    %swap3A_61 = arith.constant 0 : index
    %swap3A_62 = arith.constant 0 : index
    %swap3A_63 = vector.load %arg5[%swap3A_60, %swap3A_61, %swap3A_62] : memref<2x1000x32xf32, #tpu.memory_space<vmem>>, vector<1x1000x32xf32>
    %swap3A_64 = vector.shape_cast %swap3A_63 : vector<1x1000x32xf32> to vector<1000x32xf32>
    %swap3A_65 = vector.shape_cast %slice3A_59 : vector<1000x32xf32> to vector<1x1000x32xf32>
    tpu.vector_store %arg5[%swap3A_60, %swap3A_61, %swap3A_62], %swap3A_65 {strides = array<i32>} : memref<2x1000x32xf32, #tpu.memory_space<vmem>>, vector<1x1000x32xf32>,
    return
  }
  func.func @transform_0(%arg0: i32) -> (i32, i32, i32) {
    %c0_i32 = arith.constant 0 : i32
    %c0_i32_0 = arith.constant 0 : i32
    %c0_i32_1 = arith.constant 0 : i32
    return %c0_i32, %arg0, %c0_i32_0 : i32, i32, i32
  }
  func.func @transform_1(%arg0: i32) -> (i32, i32) {
    %c0_i32 = arith.constant 0 : i32
    %c0_i32_0 = arith.constant 0 : i32
    return %arg0, %c0_i32 : i32, i32
  }
  func.func @transform_2(%arg0: i32) -> (i32, i32) {
    %c0_i32 = arith.constant 0 : i32
    %c0_i32_0 = arith.constant 0 : i32
    %c0_i32_1 = arith.constant 0 : i32
    return %c0_i32, %c0_i32_0 : i32, i32
  }
  func.func @transform_3(%arg0: i32) -> (i32, i32) {
    %c0_i32 = arith.constant 0 : i32
    %c0_i32_0 = arith.constant 0 : i32
    %c0_i32_1 = arith.constant 0 : i32
    return %c0_i32, %c0_i32_0 : i32, i32
  }
  func.func @transform_4(%arg0: i32) -> (i32, i32, i32) {
    %c0_i32 = arith.constant 0 : i32
    %c0_i32_0 = arith.constant 0 : i32
    %c0_i32_1 = arith.constant 0 : i32
    return %c0_i32, %arg0, %c0_i32_0 : i32, i32, i32
  }
}

module attributes {stable_mosaic.version = 14 : i64} {
  func.func @_final_body(%arg0: i32, %arg1: memref<2x1000x32xf32, #tpu.memory_space<vmem>>, %arg2: memref<1000x2xf32, #tpu.memory_space<vmem>>, %arg3: memref<1x64xf32, #tpu.memory_space<vmem>>, %arg4: memref<1000x64xf32, #tpu.memory_space<vmem>>) attributes {dimension_semantics = [#tpu.dimension_semantics<arbitrary>], iteration_bounds = array<i64: 10>, scalar_prefetch = 0 : i64, scratch_operands = 0 : i64, tpu.core_type = #tpu.core_type<tc>, window_params = [{transform_indices = @transform_0, window_bounds = array<i64: 2, 1000, 32>}, {transform_indices = @transform_1, window_bounds = array<i64: 1000, 2>}, {pipeline_mode = #tpu.pipeline_mode<synchronous>, transform_indices = @transform_2, window_bounds = array<i64: 1, 64>}, {transform_indices = @transform_3, window_bounds = array<i64: 1000, 64>}]} {
    %get3A = arith.constant 0 : index
    %get3A_0 = arith.constant 0 : index
    %get3A_1 = vector.load %arg2[%get3A, %get3A_0] : memref<1000x2xf32, #tpu.memory_space<vmem>>, vector<1000x1xf32>
    %get3A_2 = vector.shape_cast %get3A_1 : vector<1000x1xf32> to vector<1000xf32>
    %get3A_3 = arith.constant 0 : index
    %get3A_4 = arith.constant 1 : index
    %get3A_5 = vector.load %arg2[%get3A_3, %get3A_4] : memref<1000x2xf32, #tpu.memory_space<vmem>>, vector<1000x1xf32>
    %get3A_6 = vector.shape_cast %get3A_5 : vector<1000x1xf32> to vector<1000xf32>
    %add3A = arith.addf %get3A_2, %get3A_6 : vector<1000xf32>
    %add3A_7 = arith.constant 1.000000e+00 : f32
    %add3A_8 = vector.broadcast %add3A_7 : f32 to vector<1000xf32>
    %add3A_9 = arith.addf %add3A, %add3A_8 : vector<1000xf32>
    %rsqrt3A = math.rsqrt %add3A_9 : vector<1000xf32>
    %broadcast_in_dim3A = vector.shape_cast %rsqrt3A : vector<1000xf32> to vector<1000x1xf32>
    %get3A_10 = arith.constant 0 : index
    %get3A_11 = arith.constant 0 : index
    %get3A_12 = arith.constant 0 : index
    %get3A_13 = vector.load %arg1[%get3A_10, %get3A_11, %get3A_12] : memref<2x1000x32xf32, #tpu.memory_space<vmem>>, vector<1x1000x32xf32>
    %get3A_14 = vector.shape_cast %get3A_13 : vector<1x1000x32xf32> to vector<1000x32xf32>
    %get3A_15 = arith.constant 1 : index
    %get3A_16 = arith.constant 0 : index
    %get3A_17 = arith.constant 0 : index
    %get3A_18 = vector.load %arg1[%get3A_15, %get3A_16, %get3A_17] : memref<2x1000x32xf32, #tpu.memory_space<vmem>>, vector<1x1000x32xf32>
    %get3A_19 = vector.shape_cast %get3A_18 : vector<1x1000x32xf32> to vector<1000x32xf32>
    %concatenate3A = tpu.concatenate %get3A_14, %get3A_19 in 1 : vector<1000x32xf32>, vector<1000x32xf32> -> vector<1000x64xf32>
    %mul3A = vector.broadcast %broadcast_in_dim3A : vector<1000x1xf32> to vector<1000x64xf32>
    %mul3A_20 = arith.mulf %concatenate3A, %mul3A : vector<1000x64xf32>
    %get3A_21 = arith.constant 0 : index
    %get3A_22 = arith.constant 0 : index
    %get3A_23 = vector.load %arg3[%get3A_21, %get3A_22] : memref<1x64xf32, #tpu.memory_space<vmem>>, vector<1x64xf32>
    %get3A_24 = vector.shape_cast %get3A_23 : vector<1x64xf32> to vector<64xf32>
    %broadcast_in_dim3A_25 = vector.shape_cast %get3A_24 : vector<64xf32> to vector<1x64xf32>
    %add3A_26 = vector.broadcast %broadcast_in_dim3A_25 : vector<1x64xf32> to vector<1000x64xf32>
    %add3A_27 = arith.addf %mul3A_20, %add3A_26 : vector<1000x64xf32>
    %reduce_max3A = arith.constant dense<0xFF800000> : vector<1000xf32>
    %reduce_max3A_28 = vector.multi_reduction <maximumf>, %add3A_27, %reduce_max3A [1] : vector<1000x64xf32> to vector<1000xf32>
    %broadcast_in_dim3A_29 = vector.shape_cast %reduce_max3A_28 : vector<1000xf32> to vector<1000x1xf32>
    %sub3A = vector.broadcast %broadcast_in_dim3A_29 : vector<1000x1xf32> to vector<1000x64xf32>
    %sub3A_30 = arith.subf %add3A_27, %sub3A : vector<1000x64xf32>
    %exp3A = math.exp %sub3A_30 : vector<1000x64xf32>
    %reduce_sum3A = arith.constant dense<0.000000e+00> : vector<1000xf32>
    %reduce_sum3A_31 = vector.multi_reduction <add>, %exp3A, %reduce_sum3A [1] : vector<1000x64xf32> to vector<1000xf32>
    %broadcast_in_dim3A_32 = vector.shape_cast %reduce_sum3A_31 : vector<1000xf32> to vector<1000x1xf32>
    %log3A = math.log %broadcast_in_dim3A_32 : vector<1000x1xf32>
    %sub3A_33 = vector.broadcast %log3A : vector<1000x1xf32> to vector<1000x64xf32>
    %sub3A_34 = arith.subf %sub3A_30, %sub3A_33 : vector<1000x64xf32>
    %swap3A = arith.constant 0 : index
    %swap3A_35 = arith.constant 0 : index
    %swap3A_36 = vector.load %arg4[%swap3A, %swap3A_35] : memref<1000x64xf32, #tpu.memory_space<vmem>>, vector<1000x64xf32>
    tpu.vector_store %arg4[%swap3A, %swap3A_35], %sub3A_34 {strides = array<i32>} : memref<1000x64xf32, #tpu.memory_space<vmem>>, vector<1000x64xf32>,
    return
  }
  func.func @transform_0(%arg0: i32) -> (i32, i32, i32) {
    %c0_i32 = arith.constant 0 : i32
    %c0_i32_0 = arith.constant 0 : i32
    %c0_i32_1 = arith.constant 0 : i32
    return %c0_i32, %arg0, %c0_i32_0 : i32, i32, i32
  }
  func.func @transform_1(%arg0: i32) -> (i32, i32) {
    %c0_i32 = arith.constant 0 : i32
    %c0_i32_0 = arith.constant 0 : i32
    return %arg0, %c0_i32 : i32, i32
  }
  func.func @transform_2(%arg0: i32) -> (i32, i32) {
    %c0_i32 = arith.constant 0 : i32
    %c0_i32_0 = arith.constant 0 : i32
    %c0_i32_1 = arith.constant 0 : i32
    return %c0_i32, %c0_i32_0 : i32, i32
  }
  func.func @transform_3(%arg0: i32) -> (i32, i32) {
    %c0_i32 = arith.constant 0 : i32
    %c0_i32_0 = arith.constant 0 : i32
    return %arg0, %c0_i32 : i32, i32
  }
}

</mosaic_0001>

<sc_bundles>
// kernel: kernel.11.cloned.1.call-start
scs
__scs_entry_jumppad:
0x0: {  	(pc) =	sbr.rel $0x88, $3  }
0x1: {  	(tag) =	ssettag $0x0;
	lr =	simm.s32 $0x1  }
0x2: {  	[smem:$0x3F9B] =	sst lr;
	_ =	strace $0xD0000000  }
0x3: {  	_ = 	snop  }
0x4: {  	_ = 	snop  }
0x5: {  	_ = 	snop  }
0x6: {  	_ = 	snop  }
0x7: {  	_ = 	snop  }
__scs_overlays_trampoline_lowered:
0x8: {  	[smem:$0x3FAA] =	sst s0  }
0x9: {  	[smem:$0x3FAB] =	sst s1  }
0xa: {  	[smem:$0x3FAC] =	sst s2  }
0xb: {  	[smem:$0x3FAD] =	sst s3  }
0xc: {  	[smem:$0x3FAE] =	sst s4  }
0xd: {  	[smem:$0x3FAF] =	sst s5  }
0xe: {  	[smem:$0x3FB0] =	sst s6  }
0xf: {  	[smem:$0x3FB1] =	sst s7  }
0x10: {  	[smem:$0x3FB2] =	sst s8  }
0x11: {  	[smem:$0x3FB3] =	sst s9;
	s0 =	simm.s32 @!p0 $0x0  }
0x12: {  	s1 =	sld [smem:$0x3F99];
	s0 =	simm.s32 @p0 $0x1  }
0x13: {  	[smem:$0x3FB4] =	sst s0;
	s0 =	simm.s32 @!p1 $0x0  }
0x14: {  	s2 =	sld [smem:$0x3F98];
	s0 =	simm.s32 @p1 $0x1  }
0x15: {  	[smem:$0x3FB5] =	sst s0;
	s0 =	simm.s32 @!p2 $0x0  }
0x16: {  	s3 =	sld [smem:$0x3FDB];
	s0 =	simm.s32 @p2 $0x1  }
0x17: {  	s4 =	simm.s32 $0x1BF5;
	[smem:$0x3FB7] =	sst s0  }
0x18: {  	s0 =	sld [smem:$0x3F9A];
	_ =	swait.ge [sflag:s4], $0x0  }
0x19: {  	s7 =	sld [smem:$0x3F9B]  }
0x1a: {  	s8 =	sadd.s32 $0xFFFFE003, lr  }
0x1b: {  	s9 =	sadd.s32 $0xFFFFFEF7, lr;
	s5 =	simm.s32 $0xFFFFFFFF;
	p2 =	slt.u32 s8, $0xFFFFF086  }
0x1c: {  	p1 =	slt.u32 s9, $0xF7A;
	s5 =	simm.s32 @!p2 $0x0  }
0x1d: {  	s5 =	simm.s32 @p1 $0x1;
	p0 =	seq.s32 s7, s2  }
0x1e: {  	s7 =	smul.u32 @!p0 $0xF7A, s2;
	p2 =	seq.s32 @!p0 s5, $0x0  }
0x1f: {  	s9 =	smul.u32 $0xF7A, s1;
	s8 =	simm.s32 @!p0 $0x1BF5;
	p2 =	por !p2, p0  }
0x20: {  	[sflag:s8] =	ssyncset.s32 @!p0 $0xFFFFF086;
	s6 =	sadd.s32 @!p0 s3, s7;
	s7 =	simm.s32 @!p0 $0x108  }
0x21: {  	s3 =	sadd.s32 s3, s9;
	s6 =	sadd.s32 @!p0 $0x88, s6;
	s7 =	simm.s32 @p2 $0x1082  }
0x22: {  	[simem:s7], [sflag:s8] =	dma.local @!p0 [hbm:s6], $0xF7A  }
0x23: {  	s9 =	sor.u32 $0xD0000000, s2;
	s6 =	simm.s32 $0x108;
	_ =	swait.ge @!p0 [sflag:s8], $0x0  }
0x24: {  	s3 =	sadd.s32 $0x88, s3;
	s6 =	simm.s32 @!p1 $0x1082;
	[sflag:s4] =	ssyncset.s32 $0xFFFFF086  }
0x25: {  	[simem:s6], [sflag:s4] =	dma.local [hbm:s3], $0xF7A  }
0x26: {  	[smem:$0x3F9B] =	sst s1;
	(tag) =	ssettag s2;
	_ =	strace s9  }
0x27: {  	s1 =	sld [smem:$0x3FAB]  }
0x28: {  	s2 =	sld [smem:$0x3FAC]  }
0x29: {  	s4 =	sld [smem:$0x3FAE]  }
0x2a: {  	p0 =	seq.s32 s5, $0x0;
	s5 =	sld [smem:$0x3FAF]  }
0x2b: {  	s6 =	sld [smem:$0x3FB0]  }
0x2c: {  	s7 =	sld [smem:$0x3FB1]  }
0x2d: {  	s3 =	simm.s32 $0x108;
	s8 =	sld [smem:$0x3FB2]  }
0x2e: {  	s3 =	simm.s32 @!p0 $0x1082;
	s9 =	sld [smem:$0x3FB3]  }
0x2f: {  	lr =	sadd.s32 s0, s3;
	s0 =	sld [smem:$0x3FAA]  }
0x30: {  	s3 =	sld [smem:$0x3FAD]  }
0x31: {  	[smem:$0x3FB6] =	sst s10  }
0x32: {  	s10 =	sld [smem:$0x3FB4];
	_ =	sdelay $0x3  }
0x33: {  	p0 =	seq.s32 s10, $0x1;
	s10 =	sld [smem:$0x3FB6];
	_ =	sdelay $0x3  }
0x34: {  	[smem:$0x3FB6] =	sst s10  }
0x35: {  	s10 =	sld [smem:$0x3FB5];
	_ =	sdelay $0x3  }
0x36: {  	p1 =	seq.s32 s10, $0x1;
	s10 =	sld [smem:$0x3FB6];
	_ =	sdelay $0x3  }
0x37: {  	[smem:$0x3FB6] =	sst s10  }
0x38: {  	s10 =	sld [smem:$0x3FB7]  }
0x39: {  	_ = 	snop;
	(pc) =	sbr.ind lr, $3  }
0x3a: {  	_ = 	snop  }
0x3b: {  	_ = 	snop  }
0x3c: {  	p2 =	seq.s32 s10, $0x1;
	s10 =	sld [smem:$0x3FB6]  }
0x3d: {  	_ =	shalt  }
0x3e: {  	_ =	shalt  }
0x3f: {  	_ =	shalt  }
0x40: {  	_ =	shalt  }
0x41: {  	_ =	shalt  }
0x42: {  	_ =	shalt  }
0x43: {  	_ =	shalt  }
0x44: {  	_ =	shalt  }
0x45: {  	_ =	shalt  }
0x46: {  	_ =	shalt  }
0x47: {  	_ =	shalt  }
0x48: {  	_ =	shalt  }
0x49: {  	_ =	shalt  }
0x4a: {  	_ =	shalt  }
0x4b: {  	_ =	shalt  }
0x4c: {  	_ =	shalt  }
0x4d: {  	_ =	shalt  }
0x4e: {  	_ =	shalt  }
0x4f: {  	_ =	shalt  }
0x50: {  	_ =	shalt  }
0x51: {  	_ =	shalt  }
0x52: {  	_ =	shalt  }
0x53: {  	_ =	shalt  }
0x54: {  	_ =	shalt  }
0x55: {  	_ =	shalt  }
0x56: {  	_ =	shalt  }
0x57: {  	_ =	shalt  }
0x58: {  	_ =	shalt  }
0x59: {  	_ =	shalt  }
0x5a: {  	_ =	shalt  }
0x5b: {  	_ =	shalt  }
0x5c: {  	_ =	shalt  }
0x5d: {  	_ =	shalt  }
0x5e: {  	_ =	shalt  }
0x5f: {  	_ =	shalt  }
0x60: {  	_ =	shalt  }
0x61: {  	_ =	shalt  }
0x62: {  	_ =	shalt  }
0x63: {  	_ =	shalt  }
0x64: {  	_ =	shalt  }
0x65: {  	_ =	shalt  }
0x66: {  	_ =	shalt  }
0x67: {  	_ =	shalt  }
0x68: {  	_ =	shalt  }
0x69: {  	_ =	shalt  }
0x6a: {  	_ =	shalt  }
0x6b: {  	_ =	shalt  }
0x6c: {  	_ =	shalt  }
0x6d: {  	_ =	shalt  }
0x6e: {  	_ =	shalt  }
0x6f: {  	_ =	shalt  }
0x70: {  	_ =	shalt  }
0x71: {  	_ =	shalt  }
0x72: {  	_ =	shalt  }
0x73: {  	_ =	shalt  }
0x74: {  	_ =	shalt  }
0x75: {  	_ =	shalt  }
0x76: {  	_ =	shalt  }
0x77: {  	_ =	shalt  }
0x78: {  	_ =	shalt  }
0x79: {  	_ =	shalt  }
0x7a: {  	_ =	shalt  }
0x7b: {  	_ =	shalt  }
0x7c: {  	_ =	shalt  }
0x7d: {  	_ =	shalt  }
0x7e: {  	_ =	shalt  }
0x7f: {  	_ =	shalt  }
0x80: {  	_ =	shalt  }
0x81: {  	_ =	shalt  }
0x82: {  	_ =	shalt  }
0x83: {  	_ =	shalt  }
0x84: {  	_ =	shalt  }
0x85: {  	_ =	shalt  }
0x86: {  	_ =	shalt  }
0x87: {  	_ =	shalt  }
.Lfunc_end0:
.L_simem_size_0:
called_computation.1_lowered:
.L_overlay_start_0:
0x88: {  	s2 =	sld [smem:$0x3FD9]  }
0x89: {  	s3 =	sld [smem:$0x3FFE];
	_ =	sdelay $0x1  }
0x8a: {  	s1 =	srdreg.scid  }
0x8b: {  	s0 =	sand.u32 $0x1, s1  }
0x8c: {  	s16 =	sshll.u32 s0, $0xA;
	s2 =	sadd.s32 s3, s2  }
0x8d: {  	s2 =	sadd.s32 s2, s16  }
0x8e: {  	[smem:$0x3FC2] =	sst s2  }
0x8f: {  	_ = 	snop  }
0x90: {  	(tm) =	ssettm $0x1  }
0x91: {  	s17 =	sld [smem:$0x3FFB];
	_ =	sdelay $0x3  }
0x92: {  	_ =	strace s17  }
0x93: {  	s2 =	sld [smem:$0x3FFC];
	_ =	sdelay $0x3  }
0x94: {  	_ =	strace s2  }
0x95: {  	s2 =	sld [smem:$0x3FFD];
	_ =	sdelay $0x3  }
0x96: {  	_ =	strace s2  }
0x97: {  	_ =	strace $0x8FFFFFFF  }
0x98: {  	s18 =	sld [smem:$0x3FDB];
	_ =	sdelay $0x1  }
0x99: {  	s19 =	simm.s32 $_scs_section_size  }
0x9a: {  	s4 =	simm.s32 $_size__tile_overlayer_lowered;
	s5 =	simm.s32 $_tile_overlayer_lowered  }
0x9b: {  	s22 =	simm.s32 $0x1BFF;
	s21 =	sshll.u32 s5, $0x1;
	s2 =	sadd.s32 s19, s18  }
0x9c: {  	s6 =	simm.s32 $0x0;
	s20 =	sshll.u32 s4, $0x1;
	s4 =	sadd.s32 s21, s2  }
0x9d: {  	[timem:s6], [sflag:s22] =	dma.local [hbm:s4], s20  }
0x9e: {  	_ =	swait.ge [sflag:s22], s20  }
0x9f: {  	s3 =	ssub.s32 $0x0, s20;
	[sflag:s22] =	ssyncset.done $0x0  }
0xa0: {  	[sflag:s22] =	ssyncadd.s32 s3;
	_ =	sdelay $0x1  }
0xa1: {  	s23 =	simm.s32 $0x1B8B  }
0xa2: {  	_ =	swait.ge [sflag:s23], $0x1  }
0xa3: {  	[sflag:s23] =	ssyncset.done $0x0  }
0xa4: {  	s25 =	simm.s32 $0x1B8E;
	s24 =	sld [smem:$0x3FFE];
	[sflag:s23] =	ssyncadd.s32 $0xFFFFFFFF  }
0xa5: {  	s26 =	simm.s32 $execute0_lowered;
	[smem:$0x3FD2] =	sst s25  }
0xa6: {  	s4 =	sshll.u32 s26, $0x1;
	_ =	strace $0x80000049;
	[dreg:$0x1] =	wrdreg $0xFFFFFFFF  }
0xa7: {  	s28 =	simm.s32 $_size_execute0_lowered;
	s2 =	sadd.s32 s2, s4;
	[dreg:$0x0] =	wrdreg $0x0  }
0xa8: {  	s4 =	sshll.u32 s28, $0x1;
	[dreg:$0x2] =	wrdreg s2  }
0xa9: {  	[dreg:$0x3] =	wrdreg s4  }
0xaa: {  	[dreg:$0x4] =	wrdreg $0xC0  }
0xab: {  	_ =	task [dreg:s6], $0x5FFFF  }
0xac: {  	[dreg:$0x1] =	wrdreg $0xFFFFFFFF  }
0xad: {  	[dreg:$0x0] =	wrdreg $0x60  }
0xae: {  	[dreg:$0x2] =	wrdreg s24  }
0xaf: {  	[dreg:$0x3] =	wrdreg $0xAA000  }
0xb0: {  	[dreg:$0x4] =	wrdreg $0x9  }
0xb1: {  	_ =	task.clear_ibuf [dreg:s6], $0x5FFFF;
	_ =	strace $0x90000049  }
0xb2: {  	s29 =	simm.s32 $0x9;
	_ =	strace $0x8000004B  }
0xb3: {  	_ =	swait.ge [sflag:s29], $0x1  }
0xb4: {  	[sflag:s29] =	ssyncadd.s32 $0xFFFFFFFF  }
0xb5: {  	_ =	strace $0x9000004B  }
0xb6: {  	_ =	sfence  }
0xb7: {  	s30 =	sld [smem:$0x0];
	_ =	sdelay $0x2  }
0xb8: {  	s31 =	sshll.u32 s1, $0xD;
	s1 =	sshrl.u32 s1, $0x2  }
0xb9: {  	s3 =	sand.u32 $0x4000, s31;
	s1 =	sadd.s32 s1, s30  }
0xba: {  	s0 =	sor.u32 s3, s0;
	s1 =	sshll.u32 s1, $0x11  }
0xbb: {  	s0 =	sor.u32 s1, s0  }
0xbc: {  	s0 =	sadd.s32 $0x8F2B, s0  }
0xbd: {  	[sflag:s0] =	ssyncadd.remote.s32 $0x1  }
0xbe: {  	_ =	sfence.sel $0xFFFF  }
0xbf: {  	[dreg:$0x0] =	wrdreg $0xFFFFFFFF;
	(pc) =	sbr.abs _section_cstart, $3  }
0xc0: {  	[dreg:$0x1] =	wrdreg $0xFFFFFFFF  }
0xc1: {  	_ =	task.clear_ibuf [dreg:s6], $0x2FFFF;
	_ =	strace $0x9FFFFFFF  }
0xc2: {  	(tm) =	ssettm $0x7FFFFFFF  }
0xc3: {  	_ =	shalt  }
tec
execute0_lowered:
.L_overlay_start_1:
0x0: {  	(tag) =	ssettag $0x1  }
0x1: {  	s0 =	srdreg.scid;
	s1 =	rddreg [dreg:$0x0]  }
0x2: {  	s12 =	stileid.u32;
	s2 =	rddreg [dreg:$0x1];
	s3 =	simm.s32 $0x0  }
0x3: {  	s14 =	simm.s32 $0x6;
	s15 =	simm.s32 $0x500;
	s16 =	simm.s32 $0xA0  }
0x4: {  	s17 =	simm.s32 $0xA00;
	s19 =	simm.s32 $0x140;
	s20 =	simm.s32 $0x5A00  }
0x5: {  	s21 =	simm.s32 $0x3;
	s28 =	simm.s32 $0x2;
	s29 =	simm.s32 $0x460  }
0x6: {  	s30 =	simm.s32 $0x640;
	s31 =	simm.s32 $0x5A0;
	s5 =	smul.u32 $0x271, s12  }
0x7: {  	s0 =	sand.u32 $0x1, s0;
	[smem:$0x7FF] =	sst s3;
	s7 =	smul.u32 $0x4E200, s12  }
0x8: {  	s6 =	sadd.s32 $0x1C00, s1;
	s10 =	sshll.u32 s12, $0x7;
	s25 =	smul.u32 $0xA00, s12  }
0x9: {  	s24 =	sshll.u32 s12, $0x6;
	s4 =	smul.u32 $0x2710, s0;
	_ =	strace $0x8000004A  }
0xa: {  	s8 =	ssub.s32 $0x2, s0;
	s9 =	sshll.u32 s0, $0xB;
	s0 =	smul.u32 $0xA000, s0  }
0xb: {  	[dreg:$0x4] =	wrdreg s24;
	s11 =	sshrl.u32 s8, $0x1;
	s9 =	sor.u32 s10, s9  }
0xc: {  	s7 =	sshrl.u32 s7, $0x2;
	s10 =	simm.s32 $0x0;
	s5 =	sadd.s32 s5, s4  }
0xd: {  	s4 =	sadd.s32 $0x15C00, s1;
	s22 =	ssub.s32 s8, s11;
	s7 =	sadd.s32 s7, s2  }
0xe: {  	s23 =	smul.u32 $0x14, s9;
	s0 =	sadd.s32 s0, s6;
	s9 =	simm.s32 $0x960  }
0xf: {  	s5 =	sshll.u32 s5, $0x4;
	s26 =	smax.u32 s22, $0x1;
	s12 =	sadd.s32 s25, s0  }
0x10: {  	s13 =	sshrl.u32 s7, $0x3;
	s22 =	simm.s32 $0x280;
	s25 =	simm.s32 $0x3C0  }
0x11: {  	s0 =	simm.s32 $0x6E0;
	s7 =	simm.s32 $0x820;
	s1 =	sadd.s32 s5, s1  }
0x12: {  	s5 =	sadd.s32 s4, s5;
	s8 =	sadd.s32 s6, s23;
	[dreg:$0x9] =	wrdreg s26  }
.Ltmp0:
0x13: {  	s23 =	simm.s32 $0x4;
	[dreg:$0x3] =	wrdreg s5;
	(pc) =	sbr.rel .LBB2_1-.Ltmp0, $4  }
0x14: {  	s26 =	simm.s32 $0x320;
	s5 =	sor.u32 $0x1C05, s24;
	[dreg:$0x6] =	wrdreg s8  }
0x15: {  	s6 =	simm.s32 $0x1;
	s8 =	sadd.s32 $0xA0, s8;
	[dreg:$0x5] =	wrdreg s5  }
0x16: {  	s1 =	sadd.s32 $0x63E00, s1;
	s24 =	simm.s32 $0x1E0;
	[dreg:$0x7] =	wrdreg s8  }
0x17: {  	[dreg:$0x8] =	wrdreg s1;
	s1 =	simm.s32 $0x780;
	s5 =	simm.s32 $0x8C0  }
.LBB2_3:
0x18: {  	_ =	swait.ge [sflag:s23], $0x5000  }
0x19: {  	[sflag:s23] =	ssyncset.done $0x0  }
0x1a: {  	[sflag:s23] =	ssyncadd.s32 $0xFFFFB000  }
0x1b: {  	[spmem:s2] =	stream.indirect.scatter.add.f32 [tilespmem:s20], [sflag:$0x6], $0x80, s9, s16, $0xb8;
	[tilespmem:$0x1EA00] =	vst v63  }
0x1c: {  	_ =	swait.ge [sflag:s14], $0x5000  }
0x1d: {  	[sflag:s14] =	ssyncset.done $0x0  }
0x1e: {  	[sflag:s14] =	ssyncadd.s32 $0xFFFFB000  }
.LBB2_5:
0x1f: {  	[bflag:$0x0] =	sbarrier.arrive $0xFFFF  }
0x20: {  	s8 =	rddreg [dreg:$0x4]  }
0x21: {  	s11 =	rddreg [dreg:$0x8];
	s8 =	sor.u32 $0x1C06, s8  }
0x22: {  	[hbm:s11], [sflag:s8] =	dma.local [spmem:s13], $0x2710  }
0x23: {  	_ =	swait.ge [sflag:s14], $0x2710  }
0x24: {  	s10 =	sadd.s32 $0x1, s10;
	s18 =	rddreg [dreg:$0x9]  }
0x25: {  	p0 =	sne.s32 s10, s18  }
.Ltmp1:
0x26: {  	_ = 	snop;
	(pc) =	sbr.rel @!p0 .LBB2_6-.Ltmp1, $3  }
0x27: {  	_ =	sdelay $0x1  }
0x28: {  	[sflag:s14] =	ssyncset.done $0x0  }
0x29: {  	[sflag:s14] =	ssyncadd.s32 $0xFFFFD8F0  }
.LBB2_1:
0x2a: {  	s8 =	rddreg [dreg:$0x3]  }
0x2b: {  	s11 =	rddreg [dreg:$0x5]  }
0x2c: {  	[spmem:s13], [sflag:s11] =	dma.local [hbm:s8], $0x2710  }
0x2d: {  	s8 =	rddreg [dreg:$0x6]  }
0x2e: {  	[tilespmem:s3], [sflag:$0x6] =	stream.linear.gather [hbm4b:s8+s3], $0x500, $0x38;
	[tilespmem:$0x1EA00] =	vst v63  }
0x2f: {  	_ =	swait.ge [sflag:s14], $0x500  }
0x30: {  	[sflag:s14] =	ssyncset.done $0x0  }
0x31: {  	s11 =	rddreg [dreg:$0x7];
	[sflag:s14] =	ssyncadd.s32 $0xFFFFFB00  }
0x32: {  	[tilespmem:s15], [sflag:$0x2] =	stream.linear.gather [hbm4b:s11+s3], $0x500, $0x38;
	[tilespmem:$0x1EA00] =	vst v63  }
0x33: {  	s18 =	simm.s32 $0x5  }
0x34: {  	[tilespmem:s17], [sflag:$0x3] =	stream.indirect.gather [hbm4b:s4+s16], $0x80, s3, s16, $0xb8;
	[tilespmem:$0x1EA00] =	vst v63  }
0x35: {  	_ =	swait.ge [sflag:s18], $0x2710  }
0x36: {  	[sflag:s18] =	ssyncset.done $0x0  }
0x37: {  	[sflag:s18] =	ssyncadd.s32 $0xFFFFD8F0  }
0x38: {  	s11 =	simm.s32 $0xFFFFF600;
	[bflag:$0x0] =	sbarrier.arrive $0xFFFF  }
.LBB2_2:
0x39: {  	[tilespmem:s20], [sflag:$0x4] =	stream.indirect.gather [hbm4b:s4+s16], $0x80, s19, s16, $0xb8;
	[tilespmem:$0x1EA00] =	vst v63  }
0x3a: {  	_ =	swait.ge [sflag:s21], $0x5000  }
0x3b: {  	[sflag:s21] =	ssyncset.done $0x0  }
0x3c: {  	[sflag:s21] =	ssyncadd.s32 $0xFFFFB000  }
0x3d: {  	[spmem:s2] =	stream.indirect.scatter.add.f32 [tilespmem:s17], [sflag:$0x6], $0x80, s16, s16, $0xb8;
	[tilespmem:$0x1EA00] =	vst v63  }
0x3e: {  	_ =	swait.ge [sflag:s14], $0x5000  }
0x3f: {  	[sflag:s14] =	ssyncset.done $0x0  }
0x40: {  	[sflag:s14] =	ssyncadd.s32 $0xFFFFB000  }
0x41: {  	[tilespmem:s17], [sflag:$0x3] =	stream.indirect.gather [hbm4b:s4+s16], $0x80, s22, s16, $0xb8;
	[tilespmem:$0x1EA00] =	vst v63  }
0x42: {  	_ =	swait.ge [sflag:s23], $0x5000  }
0x43: {  	[sflag:s23] =	ssyncset.done $0x0  }
0x44: {  	[sflag:s23] =	ssyncadd.s32 $0xFFFFB000  }
0x45: {  	[spmem:s2] =	stream.indirect.scatter.add.f32 [tilespmem:s20], [sflag:$0x6], $0x80, s24, s16, $0xb8;
	[tilespmem:$0x1EA00] =	vst v63  }
0x46: {  	_ =	swait.ge [sflag:s14], $0x5000  }
0x47: {  	[sflag:s14] =	ssyncset.done $0x0  }
0x48: {  	[sflag:s14] =	ssyncadd.s32 $0xFFFFB000  }
0x49: {  	[tilespmem:s20], [sflag:$0x4] =	stream.indirect.gather [hbm4b:s4+s16], $0x80, s25, s16, $0xb8;
	[tilespmem:$0x1EA00] =	vst v63  }
0x4a: {  	_ =	swait.ge [sflag:s21], $0x5000  }
0x4b: {  	[sflag:s21] =	ssyncset.done $0x0  }
0x4c: {  	[sflag:s21] =	ssyncadd.s32 $0xFFFFB000  }
0x4d: {  	[spmem:s2] =	stream.indirect.scatter.add.f32 [tilespmem:s17], [sflag:$0x6], $0x80, s26, s16, $0xb8;
	[tilespmem:$0x1EA00] =	vst v63  }
0x4e: {  	_ =	swait.ge [sflag:s14], $0x5000  }
0x4f: {  	[sflag:s14] =	ssyncset.done $0x0  }
0x50: {  	[sflag:s14] =	ssyncadd.s32 $0xFFFFB000  }
0x51: {  	_ =	swait.ge [sflag:s28], $0x500  }
0x52: {  	[sflag:s28] =	ssyncset.done $0x0  }
0x53: {  	[sflag:s28] =	ssyncadd.s32 $0xFFFFFB00  }
0x54: {  	[tilespmem:s17], [sflag:$0x3] =	stream.indirect.gather [hbm4b:s4+s16], $0x80, s15, s16, $0xb8;
	[tilespmem:$0x1EA00] =	vst v63  }
0x55: {  	_ =	swait.ge [sflag:s23], $0x5000  }
0x56: {  	[sflag:s23] =	ssyncset.done $0x0  }
0x57: {  	[sflag:s23] =	ssyncadd.s32 $0xFFFFB000  }
0x58: {  	[spmem:s2] =	stream.indirect.scatter.add.f32 [tilespmem:s20], [sflag:$0x6], $0x80, s29, s16, $0xb8;
	[tilespmem:$0x1EA00] =	vst v63  }
0x59: {  	p0 =	seq.s32 s11, $0xFFFFFEC0;
	_ =	swait.ge [sflag:s14], $0x5000  }
0x5a: {  	s8 =	sadd.s32 @!p0 s11, s12;
	[sflag:s14] =	ssyncset.done $0x0  }
0x5b: {  	s18 =	simm.s32 @!p0 $0x0;
	s8 =	sadd.s32 @!p0 $0xB40, s8;
	[sflag:s14] =	ssyncadd.s32 $0xFFFFB000  }
0x5c: {  	[tilespmem:s18], [sflag:$0x1] =	stream.linear.gather @!p0 [hbm4b:s8+s18], $0x500, $0x38;
	[tilespmem:$0x1EA00] =	vst v63  }
0x5d: {  	_ = 	snop  }
0x5e: {  	[tilespmem:s20], [sflag:$0x4] =	stream.indirect.gather [hbm4b:s4+s16], $0x80, s30, s16, $0xb8;
	[tilespmem:$0x1EA00] =	vst v63  }
0x5f: {  	_ =	swait.ge [sflag:s21], $0x5000  }
0x60: {  	[sflag:s21] =	ssyncset.done $0x0  }
0x61: {  	[sflag:s21] =	ssyncadd.s32 $0xFFFFB000  }
0x62: {  	[spmem:s2] =	stream.indirect.scatter.add.f32 [tilespmem:s17], [sflag:$0x6], $0x80, s31, s16, $0xb8;
	[tilespmem:$0x1EA00] =	vst v63  }
0x63: {  	_ =	swait.ge [sflag:s14], $0x5000  }
0x64: {  	[sflag:s14] =	ssyncset.done $0x0  }
0x65: {  	[sflag:s14] =	ssyncadd.s32 $0xFFFFB000  }
0x66: {  	[tilespmem:s17], [sflag:$0x3] =	stream.indirect.gather [hbm4b:s4+s16], $0x80, s1, s16, $0xb8;
	[tilespmem:$0x1EA00] =	vst v63  }
0x67: {  	_ =	swait.ge [sflag:s23], $0x5000  }
0x68: {  	[sflag:s23] =	ssyncset.done $0x0  }
0x69: {  	[sflag:s23] =	ssyncadd.s32 $0xFFFFB000  }
0x6a: {  	[spmem:s2] =	stream.indirect.scatter.add.f32 [tilespmem:s20], [sflag:$0x6], $0x80, s0, s16, $0xb8;
	[tilespmem:$0x1EA00] =	vst v63  }
0x6b: {  	_ =	swait.ge [sflag:s14], $0x5000  }
0x6c: {  	[sflag:s14] =	ssyncset.done $0x0  }
0x6d: {  	[sflag:s14] =	ssyncadd.s32 $0xFFFFB000  }
0x6e: {  	[tilespmem:s20], [sflag:$0x4] =	stream.indirect.gather [hbm4b:s4+s16], $0x80, s5, s16, $0xb8;
	[tilespmem:$0x1EA00] =	vst v63  }
0x6f: {  	_ =	swait.ge [sflag:s21], $0x5000  }
0x70: {  	p0 =	sne.s32 s11, $0xFFFFFEC0;
	[sflag:s21] =	ssyncset.done $0x0  }
.Ltmp2:
0x71: {  	[sflag:s21] =	ssyncadd.s32 $0xFFFFB000;
	(pc) =	sbr.rel @!p0 .LBB2_3-.Ltmp2, $4  }
0x72: {  	[spmem:s2] =	stream.indirect.scatter.add.f32 [tilespmem:s17], [sflag:$0x6], $0x80, s7, s16, $0xb8;
	[tilespmem:$0x1EA00] =	vst v63  }
0x73: {  	_ =	swait.ge [sflag:s14], $0x5000  }
0x74: {  	[sflag:s14] =	ssyncset.done $0x0  }
0x75: {  	[sflag:s14] =	ssyncadd.s32 $0xFFFFB000  }
0x76: {  	_ =	swait.ge [sflag:s6], $0x500  }
0x77: {  	[sflag:s6] =	ssyncset.done $0x0  }
0x78: {  	[sflag:s6] =	ssyncadd.s32 $0xFFFFFB00  }
0x79: {  	[tilespmem:s17], [sflag:$0x3] =	stream.indirect.gather [hbm4b:s4+s16], $0x80, s3, s16, $0xb8;
	[tilespmem:$0x1EA00] =	vst v63  }
0x7a: {  	_ =	swait.ge [sflag:s23], $0x5000  }
0x7b: {  	s8 =	sadd.s32 s11, s12;
	s11 =	sadd.s32 $0x140, s11;
	[sflag:s23] =	ssyncset.done $0x0  }
0x7c: {  	p0 =	sne.s32 s11, $0x0;
	[sflag:s23] =	ssyncadd.s32 $0xFFFFB000  }
0x7d: {  	[spmem:s2] =	stream.indirect.scatter.add.f32 [tilespmem:s20], [sflag:$0x6], $0x80, s9, s16, $0xb8;
	[tilespmem:$0x1EA00] =	vst v63  }
.Ltmp3:
0x7e: {  	_ = 	snop;
	(pc) =	sbr.rel @p0 .LBB2_2-.Ltmp3, $4  }
.Ltmp4:
0x7f: {  	_ =	swait.ge [sflag:s14], $0x5000;
	(pc) =	sbr.rel @!p0 .LBB2_5-.Ltmp4, $4  }
0x80: {  	[sflag:s14] =	ssyncset.done $0x0  }
0x81: {  	s8 =	sadd.s32 $0xBE0, s8;
	[sflag:s14] =	ssyncadd.s32 $0xFFFFB000  }
0x82: {  	[tilespmem:s15], [sflag:$0x2] =	stream.linear.gather [hbm4b:s8+s3], $0x500, $0x38;
	[tilespmem:$0x1EA00] =	vst v63  }
0x83: {  	_ = 	snop  }
.LBB2_6:
0x84: {  	_ =	sfence.sel $0x180000  }
0x85: {  	[bflag:$0x0] =	sbarrier.arrive $0xFFFF  }
0x86: {  	_ =	strace $0x9000004A  }
0x87: {  	s0 =	stileid.u32;
	[bflag:$0x2] =	sbarrier.arrive $0xFFFF  }
0x88: {  	p0 =	sne.s32 s0, $0x0;
	s0 =	rddreg [dreg:$0x2]  }
0x89: {  	s0 =	sadd.s32 @!p0 $0x100000, s0  }
0x8a: {  	[sflag:s0] =	ssyncadd.tile.s32 @!p0 $0x1;
	_ =	shalt  }
.Lfunc_end2:
_tile_overlayer_lowered:
.L_overlay_start_2:
0x8b: {  	(tag) =	ssettag $0x2  }
0x8c: {  	s0 =	rddreg [dreg:$0x0];
	s2 =	stileid.u32  }
0x8d: {  	s1 =	rddreg [dreg:$0x1];
	p0 =	sne.s32 s2, $0x0  }
0x8e: {  	s3 =	rddreg [dreg:$0x2];
	[bflag:$0x3] =	sbarrier.arrive $0xFFFF;
	s2 =	simm.s32 @!p0 $0x1C06  }
0x8f: {  	[timem:s3], [sflag:s2] =	dma.local @!p0 [hbm:s0], s1  }
0x90: {  	s0 =	simm.s32 @!p0 $0x6  }
0x91: {  	_ =	swait.ge @!p0 [sflag:s0], s1  }
0x92: {  	s1 =	ssub.s32 @!p0 $0x0, s1;
	[sflag:s0] =	ssyncset.done @!p0 $0x0  }
0x93: {  	[sflag:s0] =	ssyncadd.s32 @!p0 s1  }
0x94: {  	[bflag:$0x3] =	sbarrier.arrive $0xFFFF  }
0x95: {  	_ =	shalt  }

// kernel: kernel.14.cloned.1.call-start
scs
__scs_entry_jumppad:
0x0: {  	(pc) =	sbr.rel $0x88, $3  }
0x1: {  	(tag) =	ssettag $0x0;
	lr =	simm.s32 $0x1  }
0x2: {  	[smem:$0x3F9B] =	sst lr;
	_ =	strace $0xD0000000  }
0x3: {  	_ = 	snop  }
0x4: {  	_ = 	snop  }
0x5: {  	_ = 	snop  }
0x6: {  	_ = 	snop  }
0x7: {  	_ = 	snop  }
__scs_overlays_trampoline_lowered:
0x8: {  	[smem:$0x3FAA] =	sst s0  }
0x9: {  	[smem:$0x3FAB] =	sst s1  }
0xa: {  	[smem:$0x3FAC] =	sst s2  }
0xb: {  	[smem:$0x3FAD] =	sst s3  }
0xc: {  	[smem:$0x3FAE] =	sst s4  }
0xd: {  	[smem:$0x3FAF] =	sst s5  }
0xe: {  	[smem:$0x3FB0] =	sst s6  }
0xf: {  	[smem:$0x3FB1] =	sst s7  }
0x10: {  	[smem:$0x3FB2] =	sst s8  }
0x11: {  	[smem:$0x3FB3] =	sst s9;
	s0 =	simm.s32 @!p0 $0x0  }
0x12: {  	s1 =	sld [smem:$0x3F99];
	s0 =	simm.s32 @p0 $0x1  }
0x13: {  	[smem:$0x3FB4] =	sst s0;
	s0 =	simm.s32 @!p1 $0x0  }
0x14: {  	s2 =	sld [smem:$0x3F98];
	s0 =	simm.s32 @p1 $0x1  }
0x15: {  	[smem:$0x3FB5] =	sst s0;
	s0 =	simm.s32 @!p2 $0x0  }
0x16: {  	s3 =	sld [smem:$0x3FDB];
	s0 =	simm.s32 @p2 $0x1  }
0x17: {  	s4 =	simm.s32 $0x1BF5;
	[smem:$0x3FB7] =	sst s0  }
0x18: {  	s0 =	sld [smem:$0x3F9A];
	_ =	swait.ge [sflag:s4], $0x0  }
0x19: {  	s7 =	sld [smem:$0x3F9B]  }
0x1a: {  	s8 =	sadd.s32 $0xFFFFE003, lr  }
0x1b: {  	s9 =	sadd.s32 $0xFFFFFEF7, lr;
	s5 =	simm.s32 $0xFFFFFFFF;
	p2 =	slt.u32 s8, $0xFFFFF086  }
0x1c: {  	p1 =	slt.u32 s9, $0xF7A;
	s5 =	simm.s32 @!p2 $0x0  }
0x1d: {  	s5 =	simm.s32 @p1 $0x1;
	p0 =	seq.s32 s7, s2  }
0x1e: {  	s7 =	smul.u32 @!p0 $0xF7A, s2;
	p2 =	seq.s32 @!p0 s5, $0x0  }
0x1f: {  	s9 =	smul.u32 $0xF7A, s1;
	s8 =	simm.s32 @!p0 $0x1BF5;
	p2 =	por !p2, p0  }
0x20: {  	[sflag:s8] =	ssyncset.s32 @!p0 $0xFFFFF086;
	s6 =	sadd.s32 @!p0 s3, s7;
	s7 =	simm.s32 @!p0 $0x108  }
0x21: {  	s3 =	sadd.s32 s3, s9;
	s6 =	sadd.s32 @!p0 $0x88, s6;
	s7 =	simm.s32 @p2 $0x1082  }
0x22: {  	[simem:s7], [sflag:s8] =	dma.local @!p0 [hbm:s6], $0xF7A  }
0x23: {  	s9 =	sor.u32 $0xD0000000, s2;
	s6 =	simm.s32 $0x108;
	_ =	swait.ge @!p0 [sflag:s8], $0x0  }
0x24: {  	s3 =	sadd.s32 $0x88, s3;
	s6 =	simm.s32 @!p1 $0x1082;
	[sflag:s4] =	ssyncset.s32 $0xFFFFF086  }
0x25: {  	[simem:s6], [sflag:s4] =	dma.local [hbm:s3], $0xF7A  }
0x26: {  	[smem:$0x3F9B] =	sst s1;
	(tag) =	ssettag s2;
	_ =	strace s9  }
0x27: {  	s1 =	sld [smem:$0x3FAB]  }
0x28: {  	s2 =	sld [smem:$0x3FAC]  }
0x29: {  	s4 =	sld [smem:$0x3FAE]  }
0x2a: {  	p0 =	seq.s32 s5, $0x0;
	s5 =	sld [smem:$0x3FAF]  }
0x2b: {  	s6 =	sld [smem:$0x3FB0]  }
0x2c: {  	s7 =	sld [smem:$0x3FB1]  }
0x2d: {  	s3 =	simm.s32 $0x108;
	s8 =	sld [smem:$0x3FB2]  }
0x2e: {  	s3 =	simm.s32 @!p0 $0x1082;
	s9 =	sld [smem:$0x3FB3]  }
0x2f: {  	lr =	sadd.s32 s0, s3;
	s0 =	sld [smem:$0x3FAA]  }
0x30: {  	s3 =	sld [smem:$0x3FAD]  }
0x31: {  	[smem:$0x3FB6] =	sst s10  }
0x32: {  	s10 =	sld [smem:$0x3FB4];
	_ =	sdelay $0x3  }
0x33: {  	p0 =	seq.s32 s10, $0x1;
	s10 =	sld [smem:$0x3FB6];
	_ =	sdelay $0x3  }
0x34: {  	[smem:$0x3FB6] =	sst s10  }
0x35: {  	s10 =	sld [smem:$0x3FB5];
	_ =	sdelay $0x3  }
0x36: {  	p1 =	seq.s32 s10, $0x1;
	s10 =	sld [smem:$0x3FB6];
	_ =	sdelay $0x3  }
0x37: {  	[smem:$0x3FB6] =	sst s10  }
0x38: {  	s10 =	sld [smem:$0x3FB7]  }
0x39: {  	_ = 	snop;
	(pc) =	sbr.ind lr, $3  }
0x3a: {  	_ = 	snop  }
0x3b: {  	_ = 	snop  }
0x3c: {  	p2 =	seq.s32 s10, $0x1;
	s10 =	sld [smem:$0x3FB6]  }
0x3d: {  	_ =	shalt  }
0x3e: {  	_ =	shalt  }
0x3f: {  	_ =	shalt  }
0x40: {  	_ =	shalt  }
0x41: {  	_ =	shalt  }
0x42: {  	_ =	shalt  }
0x43: {  	_ =	shalt  }
0x44: {  	_ =	shalt  }
0x45: {  	_ =	shalt  }
0x46: {  	_ =	shalt  }
0x47: {  	_ =	shalt  }
0x48: {  	_ =	shalt  }
0x49: {  	_ =	shalt  }
0x4a: {  	_ =	shalt  }
0x4b: {  	_ =	shalt  }
0x4c: {  	_ =	shalt  }
0x4d: {  	_ =	shalt  }
0x4e: {  	_ =	shalt  }
0x4f: {  	_ =	shalt  }
0x50: {  	_ =	shalt  }
0x51: {  	_ =	shalt  }
0x52: {  	_ =	shalt  }
0x53: {  	_ =	shalt  }
0x54: {  	_ =	shalt  }
0x55: {  	_ =	shalt  }
0x56: {  	_ =	shalt  }
0x57: {  	_ =	shalt  }
0x58: {  	_ =	shalt  }
0x59: {  	_ =	shalt  }
0x5a: {  	_ =	shalt  }
0x5b: {  	_ =	shalt  }
0x5c: {  	_ =	shalt  }
0x5d: {  	_ =	shalt  }
0x5e: {  	_ =	shalt  }
0x5f: {  	_ =	shalt  }
0x60: {  	_ =	shalt  }
0x61: {  	_ =	shalt  }
0x62: {  	_ =	shalt  }
0x63: {  	_ =	shalt  }
0x64: {  	_ =	shalt  }
0x65: {  	_ =	shalt  }
0x66: {  	_ =	shalt  }
0x67: {  	_ =	shalt  }
0x68: {  	_ =	shalt  }
0x69: {  	_ =	shalt  }
0x6a: {  	_ =	shalt  }
0x6b: {  	_ =	shalt  }
0x6c: {  	_ =	shalt  }
0x6d: {  	_ =	shalt  }
0x6e: {  	_ =	shalt  }
0x6f: {  	_ =	shalt  }
0x70: {  	_ =	shalt  }
0x71: {  	_ =	shalt  }
0x72: {  	_ =	shalt  }
0x73: {  	_ =	shalt  }
0x74: {  	_ =	shalt  }
0x75: {  	_ =	shalt  }
0x76: {  	_ =	shalt  }
0x77: {  	_ =	shalt  }
0x78: {  	_ =	shalt  }
0x79: {  	_ =	shalt  }
0x7a: {  	_ =	shalt  }
0x7b: {  	_ =	shalt  }
0x7c: {  	_ =	shalt  }
0x7d: {  	_ =	shalt  }
0x7e: {  	_ =	shalt  }
0x7f: {  	_ =	shalt  }
0x80: {  	_ =	shalt  }
0x81: {  	_ =	shalt  }
0x82: {  	_ =	shalt  }
0x83: {  	_ =	shalt  }
0x84: {  	_ =	shalt  }
0x85: {  	_ =	shalt  }
0x86: {  	_ =	shalt  }
0x87: {  	_ =	shalt  }
.Lfunc_end0:
.L_simem_size_0:
called_computation.2_lowered:
.L_overlay_start_0:
0x88: {  	s2 =	sld [smem:$0x3FD9]  }
0x89: {  	s3 =	sld [smem:$0x3FFE];
	_ =	sdelay $0x1  }
0x8a: {  	s1 =	srdreg.scid  }
0x8b: {  	s0 =	sand.u32 $0x1, s1  }
0x8c: {  	s17 =	sshll.u32 s0, $0xA;
	s2 =	sadd.s32 s3, s2  }
0x8d: {  	s2 =	sadd.s32 s2, s17  }
0x8e: {  	[smem:$0x3FC2] =	sst s2  }
0x8f: {  	_ = 	snop  }
0x90: {  	s2 =	sld [smem:$0x3FD0];
	(tm) =	ssettm $0x1  }
0x91: {  	s18 =	sld [smem:$0x3FFB];
	_ =	sdelay $0x3  }
0x92: {  	_ =	strace s18  }
0x93: {  	s3 =	sld [smem:$0x3FFC];
	_ =	sdelay $0x3  }
0x94: {  	_ =	strace s3  }
0x95: {  	s3 =	sld [smem:$0x3FFD];
	_ =	sdelay $0x3  }
0x96: {  	_ =	strace s3  }
0x97: {  	_ =	strace $0x8FFFFFFF  }
0x98: {  	s19 =	sld [smem:$0x3FDB];
	_ =	sdelay $0x1  }
0x99: {  	s4 =	simm.s32 $_scs_section_size  }
0x9a: {  	s5 =	simm.s32 $_size__tile_overlayer_lowered;
	s6 =	simm.s32 $_tile_overlayer_lowered  }
0x9b: {  	s22 =	simm.s32 $0x1BFF;
	s21 =	sshll.u32 s6, $0x1;
	s3 =	sadd.s32 s4, s19  }
0x9c: {  	s7 =	simm.s32 $0x0;
	s20 =	sshll.u32 s5, $0x1;
	s5 =	sadd.s32 s21, s3  }
0x9d: {  	[timem:s7], [sflag:s22] =	dma.local [hbm:s5], s20  }
0x9e: {  	_ =	swait.ge [sflag:s22], s20  }
0x9f: {  	s4 =	ssub.s32 $0x0, s20;
	[sflag:s22] =	ssyncset.done $0x0  }
0xa0: {  	[sflag:s22] =	ssyncadd.s32 s4;
	_ =	sdelay $0x1  }
0xa1: {  	s23 =	simm.s32 $0x1B8B  }
0xa2: {  	_ =	swait.ge [sflag:s23], $0x1  }
0xa3: {  	[sflag:s23] =	ssyncset.done $0x0  }
0xa4: {  	s25 =	simm.s32 $0x1B8E;
	s24 =	sld [smem:$0x3FFE];
	[sflag:s23] =	ssyncadd.s32 $0xFFFFFFFF  }
0xa5: {  	s26 =	simm.s32 $execute0_lowered;
	[smem:$0x3FD2] =	sst s25  }
0xa6: {  	s5 =	sshll.u32 s26, $0x1;
	_ =	strace $0x8000004C;
	[dreg:$0x1] =	wrdreg $0xFFFFFFFF  }
0xa7: {  	s28 =	simm.s32 $_size_execute0_lowered;
	s3 =	sadd.s32 s3, s5;
	[dreg:$0x0] =	wrdreg $0x0  }
0xa8: {  	s5 =	sshll.u32 s28, $0x1;
	[dreg:$0x2] =	wrdreg s3  }
0xa9: {  	[dreg:$0x3] =	wrdreg s5  }
0xaa: {  	[dreg:$0x4] =	wrdreg $0xC0  }
0xab: {  	_ =	task [dreg:s7], $0x5FFFF  }
0xac: {  	[dreg:$0x1] =	wrdreg $0xFFFFFFFF  }
0xad: {  	[dreg:$0x0] =	wrdreg $0x60  }
0xae: {  	[dreg:$0x2] =	wrdreg s2  }
0xaf: {  	[dreg:$0x3] =	wrdreg s24  }
0xb0: {  	[dreg:$0x4] =	wrdreg $0x190000  }
0xb1: {  	[dreg:$0x5] =	wrdreg $0x9  }
0xb2: {  	_ =	task.clear_ibuf [dreg:s7], $0x6FFFF;
	_ =	strace $0x9000004C  }
0xb3: {  	s29 =	simm.s32 $0x9;
	_ =	strace $0x8000004E  }
0xb4: {  	_ =	swait.ge [sflag:s29], $0x1  }
0xb5: {  	[sflag:s29] =	ssyncadd.s32 $0xFFFFFFFF  }
0xb6: {  	_ =	strace $0x9000004E  }
0xb7: {  	_ =	sfence  }
0xb8: {  	s30 =	sld [smem:$0x0];
	_ =	sdelay $0x2  }
0xb9: {  	s31 =	sshll.u32 s1, $0xD;
	s1 =	sshrl.u32 s1, $0x2  }
0xba: {  	s3 =	sand.u32 $0x4000, s31;
	s1 =	sadd.s32 s1, s30  }
0xbb: {  	s0 =	sor.u32 s3, s0;
	s1 =	sshll.u32 s1, $0x11  }
0xbc: {  	s0 =	sor.u32 s1, s0  }
0xbd: {  	s0 =	sadd.s32 $0x8F2B, s0  }
0xbe: {  	[sflag:s0] =	ssyncadd.remote.s32 $0x1  }
0xbf: {  	_ =	sfence.sel $0xFFFF  }
0xc0: {  	[dreg:$0x0] =	wrdreg $0xFFFFFFFF;
	(pc) =	sbr.abs _section_cstart, $3  }
0xc1: {  	[dreg:$0x1] =	wrdreg $0xFFFFFFFF  }
0xc2: {  	_ =	task.clear_ibuf [dreg:s7], $0x2FFFF;
	_ =	strace $0x9FFFFFFF  }
0xc3: {  	(tm) =	ssettm $0x7FFFFFFF  }
tec
execute0_lowered:
.L_overlay_start_1:
0x0: {  	(tag) =	ssettag $0x1  }
0x1: {  	s2 =	rddreg [dreg:$0x0]  }
0x2: {  	s29 =	rddreg [dreg:$0x1]  }
0x3: {  	s0 =	srdreg.scid;
	s1 =	stileid.u32  }
0x4: {  	s3 =	rddreg [dreg:$0x2];
	s4 =	simm.s32 $0x0;
	s5 =	smul.u32 $0x271, s1  }
0x5: {  	s30 =	sand.u32 $0x1, s0;
	[smem:$0x7FF] =	sst s4;
	s19 =	smul.u32 $0x13880, s1  }
0x6: {  	s6 =	sshll.u32 s1, $0x4;
	s31 =	sshll.u32 s1, $0x6;
	s0 =	smul.u32 $0x2710, s30  }
0x7: {  	s9 =	sadd.s32 $0xB2000, s29;
	s18 =	sshll.u32 s30, $0x8;
	_ =	strace $0x8000004D  }
0x8: {  	s20 =	sor.u32 $0x1C04, s31;
	s0 =	sadd.s32 s5, s0;
	s5 =	sor.u32 s6, s18  }
0x9: {  	[dreg:$0x5] =	wrdreg s20;
	s0 =	sshll.u32 s0, $0x2;
	s8 =	smul.u32 $0x500, s5  }
0xa: {  	s23 =	rddreg [dreg:$0x5];
	s5 =	smul.u32 $0xA0, s5;
	s7 =	sadd.s32 s2, s0  }
0xb: {  	s6 =	sshrl.u32 s19, $0x2;
	[dreg:$0x4] =	wrdreg s7;
	s21 =	sshrl.u32 s8, $0x3  }
0xc: {  	s5 =	sadd.s32 s9, s5;
	s22 =	rddreg [dreg:$0x4];
	s7 =	sadd.s32 s9, s21  }
0xd: {  	s6 =	sadd.s32 s6, s3;
	[dreg:$0x6] =	wrdreg s5;
	s24 =	sadd.s32 $0x500, s7  }
0xe: {  	s5 =	sshrl.u32 s6, $0x3;
	[dreg:$0x7] =	wrdreg s24  }
0xf: {  	[spmem:s5], [sflag:s23] =	dma.local [hbm:s22], $0x9C4  }
0x10: {  	s6 =	simm.s32 $0x5;
	s25 =	rddreg [dreg:$0x6]  }
0x11: {  	[tilespmem:s4], [sflag:$0x5] =	stream.linear.gather [hbm4b:s25+s4], $0x2800, $0x38;
	[tilespmem:$0x1E000] =	vst v63  }
0x12: {  	_ =	swait.ge [sflag:s6], $0x2800  }
0x13: {  	[sflag:s6] =	ssyncset.done $0x0  }
0x14: {  	s7 =	simm.s32 $0x2800;
	s26 =	rddreg [dreg:$0x7];
	[sflag:s6] =	ssyncadd.s32 $0xFFFFD800  }
0x15: {  	[tilespmem:s7], [sflag:$0x1] =	stream.linear.gather [hbm4b:s26+s4], $0x2800, $0x38;
	[tilespmem:$0x1E000] =	vst v63  }
0x16: {  	s10 =	simm.s32 $0x4;
	s8 =	simm.s32 $0x500;
	s9 =	simm.s32 $0x5000  }
0x17: {  	[tilespmem:s9], [sflag:$0x2] =	stream.indirect.gather [hbm4b:s2+s8], $0x20, s4, s8, $0xb8;
	[tilespmem:$0x1E000] =	vst v63  }
0x18: {  	_ =	swait.ge [sflag:s10], $0x9C4  }
0x19: {  	[sflag:s10] =	ssyncset.done $0x0  }
0x1a: {  	s11 =	simm.s32 $0xA00;
	[sflag:s10] =	ssyncadd.s32 $0xFFFFF63C  }
0x1b: {  	s12 =	simm.s32 $0xF000;
	s13 =	simm.s32 $0x2;
	[bflag:$0x0] =	sbarrier.arrive $0xFFFF  }
0x1c: {  	[tilespmem:s12], [sflag:$0x3] =	stream.indirect.gather [hbm4b:s2+s8], $0x20, s11, s8, $0xb8;
	[tilespmem:$0x1E000] =	vst v63  }
0x1d: {  	_ =	swait.ge [sflag:s13], $0xA000  }
0x1e: {  	[sflag:s13] =	ssyncset.done $0x0  }
0x1f: {  	[sflag:s13] =	ssyncadd.s32 $0xFFFF6000  }
0x20: {  	[spmem:s3] =	stream.indirect.scatter.add.f32 [tilespmem:s9], [sflag:$0x5], $0x20, s8, s8, $0xb8;
	[tilespmem:$0x1E000] =	vst v63  }
0x21: {  	_ =	swait.ge [sflag:s6], $0xA000  }
0x22: {  	[sflag:s6] =	ssyncset.done $0x0  }
0x23: {  	s14 =	simm.s32 $0x1400;
	s15 =	simm.s32 $0x3;
	[sflag:s6] =	ssyncadd.s32 $0xFFFF6000  }
0x24: {  	[tilespmem:s9], [sflag:$0x2] =	stream.indirect.gather [hbm4b:s2+s8], $0x20, s14, s8, $0xb8;
	[tilespmem:$0x1E000] =	vst v63  }
0x25: {  	_ =	swait.ge [sflag:s15], $0xA000  }
0x26: {  	[sflag:s15] =	ssyncset.done $0x0  }
0x27: {  	s16 =	simm.s32 $0xF00;
	[sflag:s15] =	ssyncadd.s32 $0xFFFF6000  }
0x28: {  	[spmem:s3] =	stream.indirect.scatter.add.f32 [tilespmem:s12], [sflag:$0x5], $0x20, s16, s8, $0xb8;
	[tilespmem:$0x1E000] =	vst v63  }
0x29: {  	_ =	swait.ge [sflag:s6], $0xA000  }
0x2a: {  	[sflag:s6] =	ssyncset.done $0x0  }
0x2b: {  	s17 =	simm.s32 $0x1E00;
	[sflag:s6] =	ssyncadd.s32 $0xFFFF6000  }
0x2c: {  	[tilespmem:s12], [sflag:$0x3] =	stream.indirect.gather [hbm4b:s2+s8], $0x20, s17, s8, $0xb8;
	[tilespmem:$0x1E000] =	vst v63  }
0x2d: {  	_ =	swait.ge [sflag:s13], $0xA000  }
0x2e: {  	[sflag:s13] =	ssyncset.done $0x0  }
0x2f: {  	s18 =	simm.s32 $0x1900;
	[sflag:s13] =	ssyncadd.s32 $0xFFFF6000  }
0x30: {  	[spmem:s3] =	stream.indirect.scatter.add.f32 [tilespmem:s9], [sflag:$0x5], $0x20, s18, s8, $0xb8;
	[tilespmem:$0x1E000] =	vst v63  }
0x31: {  	_ =	swait.ge [sflag:s6], $0xA000  }
0x32: {  	[sflag:s6] =	ssyncset.done $0x0  }
0x33: {  	s19 =	simm.s32 $0x1;
	[sflag:s6] =	ssyncadd.s32 $0xFFFF6000  }
0x34: {  	_ =	swait.ge [sflag:s19], $0x2800  }
0x35: {  	[sflag:s19] =	ssyncset.done $0x0  }
0x36: {  	[sflag:s19] =	ssyncadd.s32 $0xFFFFD800  }
0x37: {  	[tilespmem:s9], [sflag:$0x2] =	stream.indirect.gather [hbm4b:s2+s8], $0x20, s7, s8, $0xb8;
	[tilespmem:$0x1E000] =	vst v63  }
0x38: {  	_ =	swait.ge [sflag:s15], $0xA000  }
0x39: {  	[sflag:s15] =	ssyncset.done $0x0  }
0x3a: {  	s20 =	simm.s32 $0x2300;
	[sflag:s15] =	ssyncadd.s32 $0xFFFF6000  }
0x3b: {  	[spmem:s3] =	stream.indirect.scatter.add.f32 [tilespmem:s12], [sflag:$0x5], $0x20, s20, s8, $0xb8;
	[tilespmem:$0x1E000] =	vst v63  }
0x3c: {  	_ =	swait.ge [sflag:s6], $0xA000  }
0x3d: {  	[sflag:s6] =	ssyncset.done $0x0  }
0x3e: {  	s21 =	simm.s32 $0x3200;
	[sflag:s6] =	ssyncadd.s32 $0xFFFF6000  }
0x3f: {  	[tilespmem:s12], [sflag:$0x3] =	stream.indirect.gather [hbm4b:s2+s8], $0x20, s21, s8, $0xb8;
	[tilespmem:$0x1E000] =	vst v63  }
0x40: {  	_ =	swait.ge [sflag:s13], $0xA000  }
0x41: {  	[sflag:s13] =	ssyncset.done $0x0  }
0x42: {  	s22 =	simm.s32 $0x2D00;
	[sflag:s13] =	ssyncadd.s32 $0xFFFF6000  }
0x43: {  	[spmem:s3] =	stream.indirect.scatter.add.f32 [tilespmem:s9], [sflag:$0x5], $0x20, s22, s8, $0xb8;
	[tilespmem:$0x1E000] =	vst v63  }
0x44: {  	_ =	swait.ge [sflag:s6], $0xA000  }
0x45: {  	[sflag:s6] =	ssyncset.done $0x0  }
0x46: {  	s23 =	simm.s32 $0x3C00;
	[sflag:s6] =	ssyncadd.s32 $0xFFFF6000  }
0x47: {  	[tilespmem:s9], [sflag:$0x2] =	stream.indirect.gather [hbm4b:s2+s8], $0x20, s23, s8, $0xb8;
	[tilespmem:$0x1E000] =	vst v63  }
0x48: {  	_ =	swait.ge [sflag:s15], $0xA000  }
0x49: {  	[sflag:s15] =	ssyncset.done $0x0  }
0x4a: {  	s24 =	simm.s32 $0x3700;
	[sflag:s15] =	ssyncadd.s32 $0xFFFF6000  }
0x4b: {  	[spmem:s3] =	stream.indirect.scatter.add.f32 [tilespmem:s12], [sflag:$0x5], $0x20, s24, s8, $0xb8;
	[tilespmem:$0x1E000] =	vst v63  }
0x4c: {  	_ =	swait.ge [sflag:s6], $0xA000  }
0x4d: {  	[sflag:s6] =	ssyncset.done $0x0  }
0x4e: {  	s25 =	simm.s32 $0x4600;
	[sflag:s6] =	ssyncadd.s32 $0xFFFF6000  }
0x4f: {  	[tilespmem:s12], [sflag:$0x3] =	stream.indirect.gather [hbm4b:s2+s8], $0x20, s25, s8, $0xb8;
	[tilespmem:$0x1E000] =	vst v63  }
0x50: {  	_ =	swait.ge [sflag:s13], $0xA000  }
0x51: {  	[sflag:s13] =	ssyncset.done $0x0  }
0x52: {  	s26 =	simm.s32 $0x4100;
	[sflag:s13] =	ssyncadd.s32 $0xFFFF6000  }
0x53: {  	[spmem:s3] =	stream.indirect.scatter.add.f32 [tilespmem:s9], [sflag:$0x5], $0x20, s26, s8, $0xb8;
	[tilespmem:$0x1E000] =	vst v63  }
0x54: {  	_ =	swait.ge [sflag:s6], $0xA000  }
0x55: {  	[sflag:s6] =	ssyncset.done $0x0  }
0x56: {  	s30 =	ssub.s32 $0x2, s30;
	[sflag:s6] =	ssyncadd.s32 $0xFFFF6000  }
0x57: {  	s0 =	sadd.s32 s0, s29;
	s29 =	sshrl.u32 s30, $0x1;
	_ =	swait.ge [sflag:s15], $0xA000  }
0x58: {  	s30 =	ssub.s32 s30, s29;
	[sflag:s15] =	ssyncset.done $0x0  }
0x59: {  	s28 =	simm.s32 $0x4B00;
	s1 =	smax.u32 s30, $0x1;
	[sflag:s15] =	ssyncadd.s32 $0xFFFF6000  }
0x5a: {  	[spmem:s3] =	stream.indirect.scatter.add.f32 [tilespmem:s12], [sflag:$0x5], $0x20, s28, s8, $0xb8;
	[tilespmem:$0x1E000] =	vst v63  }
0x5b: {  	p0 =	sne.s32 s1, $0x1;
	_ =	swait.ge [sflag:s6], $0xA000  }
.Ltmp0:
0x5c: {  	[sflag:s6] =	ssyncset.done $0x0;
	(pc) =	sbr.rel @!p0 .LBB2_2-.Ltmp0, $4  }
0x5d: {  	[sflag:s6] =	ssyncadd.s32 $0xFFFF6000  }
0x5e: {  	s29 =	sadd.s32 $0x1200, s0;
	s30 =	sor.u32 $0x1C05, s31;
	[bflag:$0x0] =	sbarrier.arrive $0xFFFF  }
0x5f: {  	[hbm:s29], [sflag:s30] =	dma.local [spmem:s5], $0x9C4  }
0x60: {  	s31 =	sadd.s32 $0xFFFFFFFF, s1;
	_ =	swait.ge [sflag:s6], $0x9C4  }
.LBB2_1:
0x61: {  	s0 =	rddreg [dreg:$0x4];
	[sflag:s6] =	ssyncset.done $0x0  }
0x62: {  	s1 =	rddreg [dreg:$0x5];
	[sflag:s6] =	ssyncadd.s32 $0xFFFFF63C  }
0x63: {  	[spmem:s5], [sflag:s1] =	dma.local [hbm:s0], $0x9C4  }
0x64: {  	s0 =	rddreg [dreg:$0x6]  }
0x65: {  	[tilespmem:s4], [sflag:$0x5] =	stream.linear.gather [hbm4b:s0+s4], $0x2800, $0x38;
	[tilespmem:$0x1E000] =	vst v63  }
0x66: {  	_ =	swait.ge [sflag:s6], $0x2800  }
0x67: {  	[sflag:s6] =	ssyncset.done $0x0  }
0x68: {  	s1 =	rddreg [dreg:$0x7];
	[sflag:s6] =	ssyncadd.s32 $0xFFFFD800  }
0x69: {  	[tilespmem:s7], [sflag:$0x1] =	stream.linear.gather [hbm4b:s1+s4], $0x2800, $0x38;
	[tilespmem:$0x1E000] =	vst v63  }
0x6a: {  	_ = 	snop  }
0x6b: {  	[tilespmem:s9], [sflag:$0x2] =	stream.indirect.gather [hbm4b:s2+s8], $0x20, s4, s8, $0xb8;
	[tilespmem:$0x1E000] =	vst v63  }
0x6c: {  	_ =	swait.ge [sflag:s10], $0x9C4  }
0x6d: {  	[sflag:s10] =	ssyncset.done $0x0  }
0x6e: {  	[sflag:s10] =	ssyncadd.s32 $0xFFFFF63C  }
0x6f: {  	[bflag:$0x0] =	sbarrier.arrive $0xFFFF  }
0x70: {  	[tilespmem:s12], [sflag:$0x3] =	stream.indirect.gather [hbm4b:s2+s8], $0x20, s11, s8, $0xb8;
	[tilespmem:$0x1E000] =	vst v63  }
0x71: {  	_ =	swait.ge [sflag:s13], $0xA000  }
0x72: {  	[sflag:s13] =	ssyncset.done $0x0  }
0x73: {  	[sflag:s13] =	ssyncadd.s32 $0xFFFF6000  }
0x74: {  	[spmem:s3] =	stream.indirect.scatter.add.f32 [tilespmem:s9], [sflag:$0x5], $0x20, s8, s8, $0xb8;
	[tilespmem:$0x1E000] =	vst v63  }
0x75: {  	_ =	swait.ge [sflag:s6], $0xA000  }
0x76: {  	[sflag:s6] =	ssyncset.done $0x0  }
0x77: {  	[sflag:s6] =	ssyncadd.s32 $0xFFFF6000  }
0x78: {  	[tilespmem:s9], [sflag:$0x2] =	stream.indirect.gather [hbm4b:s2+s8], $0x20, s14, s8, $0xb8;
	[tilespmem:$0x1E000] =	vst v63  }
0x79: {  	_ =	swait.ge [sflag:s15], $0xA000  }
0x7a: {  	[sflag:s15] =	ssyncset.done $0x0  }
0x7b: {  	[sflag:s15] =	ssyncadd.s32 $0xFFFF6000  }
0x7c: {  	[spmem:s3] =	stream.indirect.scatter.add.f32 [tilespmem:s12], [sflag:$0x5], $0x20, s16, s8, $0xb8;
	[tilespmem:$0x1E000] =	vst v63  }
0x7d: {  	_ =	swait.ge [sflag:s6], $0xA000  }
0x7e: {  	[sflag:s6] =	ssyncset.done $0x0  }
0x7f: {  	[sflag:s6] =	ssyncadd.s32 $0xFFFF6000  }
0x80: {  	[tilespmem:s12], [sflag:$0x3] =	stream.indirect.gather [hbm4b:s2+s8], $0x20, s17, s8, $0xb8;
	[tilespmem:$0x1E000] =	vst v63  }
0x81: {  	_ =	swait.ge [sflag:s13], $0xA000  }
0x82: {  	[sflag:s13] =	ssyncset.done $0x0  }
0x83: {  	[sflag:s13] =	ssyncadd.s32 $0xFFFF6000  }
0x84: {  	[spmem:s3] =	stream.indirect.scatter.add.f32 [tilespmem:s9], [sflag:$0x5], $0x20, s18, s8, $0xb8;
	[tilespmem:$0x1E000] =	vst v63  }
0x85: {  	_ =	swait.ge [sflag:s6], $0xA000  }
0x86: {  	[sflag:s6] =	ssyncset.done $0x0  }
0x87: {  	[sflag:s6] =	ssyncadd.s32 $0xFFFF6000  }
0x88: {  	_ =	swait.ge [sflag:s19], $0x2800  }
0x89: {  	[sflag:s19] =	ssyncset.done $0x0  }
0x8a: {  	[sflag:s19] =	ssyncadd.s32 $0xFFFFD800  }
0x8b: {  	[tilespmem:s9], [sflag:$0x2] =	stream.indirect.gather [hbm4b:s2+s8], $0x20, s7, s8, $0xb8;
	[tilespmem:$0x1E000] =	vst v63  }
0x8c: {  	_ =	swait.ge [sflag:s15], $0xA000  }
0x8d: {  	[sflag:s15] =	ssyncset.done $0x0  }
0x8e: {  	[sflag:s15] =	ssyncadd.s32 $0xFFFF6000  }
0x8f: {  	[spmem:s3] =	stream.indirect.scatter.add.f32 [tilespmem:s12], [sflag:$0x5], $0x20, s20, s8, $0xb8;
	[tilespmem:$0x1E000] =	vst v63  }
0x90: {  	_ =	swait.ge [sflag:s6], $0xA000  }
0x91: {  	[sflag:s6] =	ssyncset.done $0x0  }
0x92: {  	[sflag:s6] =	ssyncadd.s32 $0xFFFF6000  }
0x93: {  	[tilespmem:s12], [sflag:$0x3] =	stream.indirect.gather [hbm4b:s2+s8], $0x20, s21, s8, $0xb8;
	[tilespmem:$0x1E000] =	vst v63  }
0x94: {  	_ =	swait.ge [sflag:s13], $0xA000  }
0x95: {  	[sflag:s13] =	ssyncset.done $0x0  }
0x96: {  	[sflag:s13] =	ssyncadd.s32 $0xFFFF6000  }
0x97: {  	[spmem:s3] =	stream.indirect.scatter.add.f32 [tilespmem:s9], [sflag:$0x5], $0x20, s22, s8, $0xb8;
	[tilespmem:$0x1E000] =	vst v63  }
0x98: {  	_ =	swait.ge [sflag:s6], $0xA000  }
0x99: {  	[sflag:s6] =	ssyncset.done $0x0  }
0x9a: {  	[sflag:s6] =	ssyncadd.s32 $0xFFFF6000  }
0x9b: {  	[tilespmem:s9], [sflag:$0x2] =	stream.indirect.gather [hbm4b:s2+s8], $0x20, s23, s8, $0xb8;
	[tilespmem:$0x1E000] =	vst v63  }
0x9c: {  	_ =	swait.ge [sflag:s15], $0xA000  }
0x9d: {  	[sflag:s15] =	ssyncset.done $0x0  }
0x9e: {  	[sflag:s15] =	ssyncadd.s32 $0xFFFF6000  }
0x9f: {  	[spmem:s3] =	stream.indirect.scatter.add.f32 [tilespmem:s12], [sflag:$0x5], $0x20, s24, s8, $0xb8;
	[tilespmem:$0x1E000] =	vst v63  }
0xa0: {  	_ =	swait.ge [sflag:s6], $0xA000  }
0xa1: {  	[sflag:s6] =	ssyncset.done $0x0  }
0xa2: {  	[sflag:s6] =	ssyncadd.s32 $0xFFFF6000  }
0xa3: {  	[tilespmem:s12], [sflag:$0x3] =	stream.indirect.gather [hbm4b:s2+s8], $0x20, s25, s8, $0xb8;
	[tilespmem:$0x1E000] =	vst v63  }
0xa4: {  	_ =	swait.ge [sflag:s13], $0xA000  }
0xa5: {  	[sflag:s13] =	ssyncset.done $0x0  }
0xa6: {  	[sflag:s13] =	ssyncadd.s32 $0xFFFF6000  }
0xa7: {  	[spmem:s3] =	stream.indirect.scatter.add.f32 [tilespmem:s9], [sflag:$0x5], $0x20, s26, s8, $0xb8;
	[tilespmem:$0x1E000] =	vst v63  }
0xa8: {  	_ =	swait.ge [sflag:s6], $0xA000  }
0xa9: {  	[sflag:s6] =	ssyncset.done $0x0  }
0xaa: {  	[sflag:s6] =	ssyncadd.s32 $0xFFFF6000  }
0xab: {  	_ =	swait.ge [sflag:s15], $0xA000  }
0xac: {  	[sflag:s15] =	ssyncset.done $0x0  }
0xad: {  	[sflag:s15] =	ssyncadd.s32 $0xFFFF6000  }
0xae: {  	[spmem:s3] =	stream.indirect.scatter.add.f32 [tilespmem:s12], [sflag:$0x5], $0x20, s28, s8, $0xb8;
	[tilespmem:$0x1E000] =	vst v63  }
0xaf: {  	p0 =	sne.s32 s31, $0x1;
	_ =	swait.ge [sflag:s6], $0xA000  }
.Ltmp1:
0xb0: {  	[sflag:s6] =	ssyncset.done $0x0;
	(pc) =	sbr.rel @p0 .LBB2_1-.Ltmp1, $4  }
0xb1: {  	[sflag:s6] =	ssyncadd.s32 $0xFFFF6000  }
0xb2: {  	[bflag:$0x0] =	sbarrier.arrive $0xFFFF  }
0xb3: {  	[hbm:s29], [sflag:s30] =	dma.local [spmem:s5], $0x9C4  }
0xb4: {  	s31 =	sadd.s32 $0xFFFFFFFF, s31;
	_ =	swait.ge [sflag:s6], $0x9C4  }
.LBB2_2:
0xb5: {  	[sflag:s6] =	ssyncset.done $0x0  }
0xb6: {  	[sflag:s6] =	ssyncadd.s32 $0xFFFFF63C  }
0xb7: {  	_ =	sfence.sel $0x180000  }
0xb8: {  	[bflag:$0x0] =	sbarrier.arrive $0xFFFF  }
0xb9: {  	_ =	strace $0x9000004D  }
0xba: {  	s0 =	stileid.u32;
	[bflag:$0x2] =	sbarrier.arrive $0xFFFF  }
0xbb: {  	p0 =	sne.s32 s0, $0x0;
	s0 =	rddreg [dreg:$0x3]  }
0xbc: {  	s0 =	sadd.s32 @!p0 $0x100000, s0  }
0xbd: {  	[sflag:s0] =	ssyncadd.tile.s32 @!p0 $0x1;
	_ =	shalt  }
.Lfunc_end2:
_tile_overlayer_lowered:
.L_overlay_start_2:
0xbe: {  	(tag) =	ssettag $0x2  }
0xbf: {  	s0 =	rddreg [dreg:$0x0];
	s2 =	stileid.u32  }
0xc0: {  	s1 =	rddreg [dreg:$0x1];
	p0 =	sne.s32 s2, $0x0  }
0xc1: {  	s3 =	rddreg [dreg:$0x2];
	[bflag:$0x3] =	sbarrier.arrive $0xFFFF;
	s2 =	simm.s32 @!p0 $0x1C05  }
0xc2: {  	[timem:s3], [sflag:s2] =	dma.local @!p0 [hbm:s0], s1  }
0xc3: {  	s0 =	simm.s32 @!p0 $0x5  }
0xc4: {  	_ =	swait.ge @!p0 [sflag:s0], s1  }
0xc5: {  	s1 =	ssub.s32 @!p0 $0x0, s1;
	[sflag:s0] =	ssyncset.done @!p0 $0x0  }
0xc6: {  	[sflag:s0] =	ssyncadd.s32 @!p0 s1  }
0xc7: {  	[bflag:$0x3] =	sbarrier.arrive $0xFFFF  }
0xc8: {  	_ =	shalt  }

// kernel: kernel.8.cloned.1.call-start
scs
__scs_entry_jumppad:
0x0: {  	(pc) =	sbr.rel $0x88, $3  }
0x1: {  	(tag) =	ssettag $0x0;
	lr =	simm.s32 $0x1  }
0x2: {  	[smem:$0x3F9B] =	sst lr;
	_ =	strace $0xD0000000  }
0x3: {  	_ = 	snop  }
0x4: {  	_ = 	snop  }
0x5: {  	_ = 	snop  }
0x6: {  	_ = 	snop  }
0x7: {  	_ = 	snop  }
__scs_overlays_trampoline_lowered:
0x8: {  	[smem:$0x3FAA] =	sst s0  }
0x9: {  	[smem:$0x3FAB] =	sst s1  }
0xa: {  	[smem:$0x3FAC] =	sst s2  }
0xb: {  	[smem:$0x3FAD] =	sst s3  }
0xc: {  	[smem:$0x3FAE] =	sst s4  }
0xd: {  	[smem:$0x3FAF] =	sst s5  }
0xe: {  	[smem:$0x3FB0] =	sst s6  }
0xf: {  	[smem:$0x3FB1] =	sst s7  }
0x10: {  	[smem:$0x3FB2] =	sst s8  }
0x11: {  	[smem:$0x3FB3] =	sst s9;
	s0 =	simm.s32 @!p0 $0x0  }
0x12: {  	s1 =	sld [smem:$0x3F99];
	s0 =	simm.s32 @p0 $0x1  }
0x13: {  	[smem:$0x3FB4] =	sst s0;
	s0 =	simm.s32 @!p1 $0x0  }
0x14: {  	s2 =	sld [smem:$0x3F98];
	s0 =	simm.s32 @p1 $0x1  }
0x15: {  	[smem:$0x3FB5] =	sst s0;
	s0 =	simm.s32 @!p2 $0x0  }
0x16: {  	s3 =	sld [smem:$0x3FDB];
	s0 =	simm.s32 @p2 $0x1  }
0x17: {  	s4 =	simm.s32 $0x1BF5;
	[smem:$0x3FB7] =	sst s0  }
0x18: {  	s0 =	sld [smem:$0x3F9A];
	_ =	swait.ge [sflag:s4], $0x0  }
0x19: {  	s7 =	sld [smem:$0x3F9B]  }
0x1a: {  	s8 =	sadd.s32 $0xFFFFE003, lr  }
0x1b: {  	s9 =	sadd.s32 $0xFFFFFEF7, lr;
	s5 =	simm.s32 $0xFFFFFFFF;
	p2 =	slt.u32 s8, $0xFFFFF086  }
0x1c: {  	p1 =	slt.u32 s9, $0xF7A;
	s5 =	simm.s32 @!p2 $0x0  }
0x1d: {  	s5 =	simm.s32 @p1 $0x1;
	p0 =	seq.s32 s7, s2  }
0x1e: {  	s7 =	smul.u32 @!p0 $0xF7A, s2;
	p2 =	seq.s32 @!p0 s5, $0x0  }
0x1f: {  	s9 =	smul.u32 $0xF7A, s1;
	s8 =	simm.s32 @!p0 $0x1BF5;
	p2 =	por !p2, p0  }
0x20: {  	[sflag:s8] =	ssyncset.s32 @!p0 $0xFFFFF086;
	s6 =	sadd.s32 @!p0 s3, s7;
	s7 =	simm.s32 @!p0 $0x108  }
0x21: {  	s3 =	sadd.s32 s3, s9;
	s6 =	sadd.s32 @!p0 $0x88, s6;
	s7 =	simm.s32 @p2 $0x1082  }
0x22: {  	[simem:s7], [sflag:s8] =	dma.local @!p0 [hbm:s6], $0xF7A  }
0x23: {  	s9 =	sor.u32 $0xD0000000, s2;
	s6 =	simm.s32 $0x108;
	_ =	swait.ge @!p0 [sflag:s8], $0x0  }
0x24: {  	s3 =	sadd.s32 $0x88, s3;
	s6 =	simm.s32 @!p1 $0x1082;
	[sflag:s4] =	ssyncset.s32 $0xFFFFF086  }
0x25: {  	[simem:s6], [sflag:s4] =	dma.local [hbm:s3], $0xF7A  }
0x26: {  	[smem:$0x3F9B] =	sst s1;
	(tag) =	ssettag s2;
	_ =	strace s9  }
0x27: {  	s1 =	sld [smem:$0x3FAB]  }
0x28: {  	s2 =	sld [smem:$0x3FAC]  }
0x29: {  	s4 =	sld [smem:$0x3FAE]  }
0x2a: {  	p0 =	seq.s32 s5, $0x0;
	s5 =	sld [smem:$0x3FAF]  }
0x2b: {  	s6 =	sld [smem:$0x3FB0]  }
0x2c: {  	s7 =	sld [smem:$0x3FB1]  }
0x2d: {  	s3 =	simm.s32 $0x108;
	s8 =	sld [smem:$0x3FB2]  }
0x2e: {  	s3 =	simm.s32 @!p0 $0x1082;
	s9 =	sld [smem:$0x3FB3]  }
0x2f: {  	lr =	sadd.s32 s0, s3;
	s0 =	sld [smem:$0x3FAA]  }
0x30: {  	s3 =	sld [smem:$0x3FAD]  }
0x31: {  	[smem:$0x3FB6] =	sst s10  }
0x32: {  	s10 =	sld [smem:$0x3FB4];
	_ =	sdelay $0x3  }
0x33: {  	p0 =	seq.s32 s10, $0x1;
	s10 =	sld [smem:$0x3FB6];
	_ =	sdelay $0x3  }
0x34: {  	[smem:$0x3FB6] =	sst s10  }
0x35: {  	s10 =	sld [smem:$0x3FB5];
	_ =	sdelay $0x3  }
0x36: {  	p1 =	seq.s32 s10, $0x1;
	s10 =	sld [smem:$0x3FB6];
	_ =	sdelay $0x3  }
0x37: {  	[smem:$0x3FB6] =	sst s10  }
0x38: {  	s10 =	sld [smem:$0x3FB7]  }
0x39: {  	_ = 	snop;
	(pc) =	sbr.ind lr, $3  }
0x3a: {  	_ = 	snop  }
0x3b: {  	_ = 	snop  }
0x3c: {  	p2 =	seq.s32 s10, $0x1;
	s10 =	sld [smem:$0x3FB6]  }
0x3d: {  	_ =	shalt  }
0x3e: {  	_ =	shalt  }
0x3f: {  	_ =	shalt  }
0x40: {  	_ =	shalt  }
0x41: {  	_ =	shalt  }
0x42: {  	_ =	shalt  }
0x43: {  	_ =	shalt  }
0x44: {  	_ =	shalt  }
0x45: {  	_ =	shalt  }
0x46: {  	_ =	shalt  }
0x47: {  	_ =	shalt  }
0x48: {  	_ =	shalt  }
0x49: {  	_ =	shalt  }
0x4a: {  	_ =	shalt  }
0x4b: {  	_ =	shalt  }
0x4c: {  	_ =	shalt  }
0x4d: {  	_ =	shalt  }
0x4e: {  	_ =	shalt  }
0x4f: {  	_ =	shalt  }
0x50: {  	_ =	shalt  }
0x51: {  	_ =	shalt  }
0x52: {  	_ =	shalt  }
0x53: {  	_ =	shalt  }
0x54: {  	_ =	shalt  }
0x55: {  	_ =	shalt  }
0x56: {  	_ =	shalt  }
0x57: {  	_ =	shalt  }
0x58: {  	_ =	shalt  }
0x59: {  	_ =	shalt  }
0x5a: {  	_ =	shalt  }
0x5b: {  	_ =	shalt  }
0x5c: {  	_ =	shalt  }
0x5d: {  	_ =	shalt  }
0x5e: {  	_ =	shalt  }
0x5f: {  	_ =	shalt  }
0x60: {  	_ =	shalt  }
0x61: {  	_ =	shalt  }
0x62: {  	_ =	shalt  }
0x63: {  	_ =	shalt  }
0x64: {  	_ =	shalt  }
0x65: {  	_ =	shalt  }
0x66: {  	_ =	shalt  }
0x67: {  	_ =	shalt  }
0x68: {  	_ =	shalt  }
0x69: {  	_ =	shalt  }
0x6a: {  	_ =	shalt  }
0x6b: {  	_ =	shalt  }
0x6c: {  	_ =	shalt  }
0x6d: {  	_ =	shalt  }
0x6e: {  	_ =	shalt  }
0x6f: {  	_ =	shalt  }
0x70: {  	_ =	shalt  }
0x71: {  	_ =	shalt  }
0x72: {  	_ =	shalt  }
0x73: {  	_ =	shalt  }
0x74: {  	_ =	shalt  }
0x75: {  	_ =	shalt  }
0x76: {  	_ =	shalt  }
0x77: {  	_ =	shalt  }
0x78: {  	_ =	shalt  }
0x79: {  	_ =	shalt  }
0x7a: {  	_ =	shalt  }
0x7b: {  	_ =	shalt  }
0x7c: {  	_ =	shalt  }
0x7d: {  	_ =	shalt  }
0x7e: {  	_ =	shalt  }
0x7f: {  	_ =	shalt  }
0x80: {  	_ =	shalt  }
0x81: {  	_ =	shalt  }
0x82: {  	_ =	shalt  }
0x83: {  	_ =	shalt  }
0x84: {  	_ =	shalt  }
0x85: {  	_ =	shalt  }
0x86: {  	_ =	shalt  }
0x87: {  	_ =	shalt  }
.Lfunc_end0:
.L_simem_size_0:
called_computation_lowered:
.L_overlay_start_0:
0x88: {  	s2 =	sld [smem:$0x3FD9]  }
0x89: {  	s3 =	sld [smem:$0x3FFE];
	_ =	sdelay $0x1  }
0x8a: {  	s1 =	srdreg.scid  }
0x8b: {  	s0 =	sand.u32 $0x1, s1  }
0x8c: {  	s17 =	sshll.u32 s0, $0xA;
	s2 =	sadd.s32 s3, s2  }
0x8d: {  	s2 =	sadd.s32 s2, s17  }
0x8e: {  	[smem:$0x3FC2] =	sst s2  }
0x8f: {  	_ = 	snop  }
0x90: {  	s2 =	sld [smem:$0x3FD0];
	(tm) =	ssettm $0x1  }
0x91: {  	s18 =	sld [smem:$0x3FFB];
	_ =	sdelay $0x3  }
0x92: {  	_ =	strace s18  }
0x93: {  	s3 =	sld [smem:$0x3FFC];
	_ =	sdelay $0x3  }
0x94: {  	_ =	strace s3  }
0x95: {  	s3 =	sld [smem:$0x3FFD];
	_ =	sdelay $0x3  }
0x96: {  	_ =	strace s3  }
0x97: {  	_ =	strace $0x8FFFFFFF  }
0x98: {  	s19 =	sld [smem:$0x3FDB];
	_ =	sdelay $0x1  }
0x99: {  	s4 =	simm.s32 $_scs_section_size  }
0x9a: {  	s5 =	simm.s32 $_size__tile_overlayer_lowered;
	s6 =	simm.s32 $_tile_overlayer_lowered  }
0x9b: {  	s22 =	simm.s32 $0x1BFF;
	s21 =	sshll.u32 s6, $0x1;
	s3 =	sadd.s32 s4, s19  }
0x9c: {  	s7 =	simm.s32 $0x0;
	s20 =	sshll.u32 s5, $0x1;
	s5 =	sadd.s32 s21, s3  }
0x9d: {  	[timem:s7], [sflag:s22] =	dma.local [hbm:s5], s20  }
0x9e: {  	_ =	swait.ge [sflag:s22], s20  }
0x9f: {  	s4 =	ssub.s32 $0x0, s20;
	[sflag:s22] =	ssyncset.done $0x0  }
0xa0: {  	[sflag:s22] =	ssyncadd.s32 s4;
	_ =	sdelay $0x1  }
0xa1: {  	s23 =	simm.s32 $0x1B8B  }
0xa2: {  	_ =	swait.ge [sflag:s23], $0x1  }
0xa3: {  	[sflag:s23] =	ssyncset.done $0x0  }
0xa4: {  	s25 =	simm.s32 $0x1B8E;
	s24 =	sld [smem:$0x3FFE];
	[sflag:s23] =	ssyncadd.s32 $0xFFFFFFFF  }
0xa5: {  	s26 =	simm.s32 $execute0_lowered;
	[smem:$0x3FD2] =	sst s25  }
0xa6: {  	s5 =	sshll.u32 s26, $0x1;
	_ =	strace $0x80000046;
	[dreg:$0x1] =	wrdreg $0xFFFFFFFF  }
0xa7: {  	s28 =	simm.s32 $_size_execute0_lowered;
	s3 =	sadd.s32 s3, s5;
	[dreg:$0x0] =	wrdreg $0x0  }
0xa8: {  	s5 =	sshll.u32 s28, $0x1;
	[dreg:$0x2] =	wrdreg s3  }
0xa9: {  	[dreg:$0x3] =	wrdreg s5  }
0xaa: {  	[dreg:$0x4] =	wrdreg $0xC0  }
0xab: {  	_ =	task [dreg:s7], $0x5FFFF  }
0xac: {  	[dreg:$0x1] =	wrdreg $0xFFFFFFFF  }
0xad: {  	[dreg:$0x0] =	wrdreg $0x60  }
0xae: {  	[dreg:$0x2] =	wrdreg s2  }
0xaf: {  	[dreg:$0x3] =	wrdreg s24  }
0xb0: {  	[dreg:$0x4] =	wrdreg $0x29980  }
0xb1: {  	[dreg:$0x5] =	wrdreg $0x9  }
0xb2: {  	_ =	task.clear_ibuf [dreg:s7], $0x6FFFF;
	_ =	strace $0x90000046  }
0xb3: {  	s29 =	simm.s32 $0x9;
	_ =	strace $0x80000048  }
0xb4: {  	_ =	swait.ge [sflag:s29], $0x1  }
0xb5: {  	[sflag:s29] =	ssyncadd.s32 $0xFFFFFFFF  }
0xb6: {  	_ =	strace $0x90000048  }
0xb7: {  	_ =	sfence  }
0xb8: {  	s30 =	sld [smem:$0x0];
	_ =	sdelay $0x2  }
0xb9: {  	s31 =	sshll.u32 s1, $0xD;
	s1 =	sshrl.u32 s1, $0x2  }
0xba: {  	s3 =	sand.u32 $0x4000, s31;
	s1 =	sadd.s32 s1, s30  }
0xbb: {  	s0 =	sor.u32 s3, s0;
	s1 =	sshll.u32 s1, $0x11  }
0xbc: {  	s0 =	sor.u32 s1, s0  }
0xbd: {  	s0 =	sadd.s32 $0x8F2B, s0  }
0xbe: {  	[sflag:s0] =	ssyncadd.remote.s32 $0x1  }
0xbf: {  	_ =	sfence.sel $0xFFFF  }
0xc0: {  	[dreg:$0x0] =	wrdreg $0xFFFFFFFF;
	(pc) =	sbr.abs _section_cstart, $3  }
0xc1: {  	[dreg:$0x1] =	wrdreg $0xFFFFFFFF  }
0xc2: {  	_ =	task.clear_ibuf [dreg:s7], $0x2FFFF;
	_ =	strace $0x9FFFFFFF  }
0xc3: {  	(tm) =	ssettm $0x7FFFFFFF  }
tec
execute0_lowered:
.L_overlay_start_1:
0x0: {  	(tag) =	ssettag $0x1  }
0x1: {  	s5 =	rddreg [dreg:$0x0]  }
0x2: {  	s1 =	srdreg.scid;
	s4 =	rddreg [dreg:$0x1]  }
0x3: {  	s0 =	stileid.u32;
	s2 =	rddreg [dreg:$0x2];
	s3 =	simm.s32 $0x0  }
0x4: {  	s13 =	simm.s32 $0x0;
	s6 =	sand.u32 $0x1, s1;
	s1 =	rddreg [dreg:$0x3]  }
0x5: {  	s7 =	smul.u32 $0x280, s0;
	[smem:$0x7FF] =	sst s3;
	s10 =	sshll.u32 s0, $0x1  }
0x6: {  	s30 =	sadd.s32 $0x4E20, s5;
	s31 =	sshll.u32 s0, $0x6;
	s8 =	smul.u32 $0x2800, s6  }
0x7: {  	_ =	strace $0x80000047;
	s9 =	ssub.s32 $0x2, s6;
	s6 =	sor.u32 s6, s10  }
0x8: {  	s29 =	sshrl.u32 s9, $0x1;
	s11 =	smul.u32 $0x271, s6;
	s8 =	sadd.s32 s7, s8  }
0x9: {  	s10 =	simm.s32 $0x1388;
	s9 =	ssub.s32 s9, s29;
	s8 =	sshrl.u32 s8, $0x3  }
0xa: {  	s6 =	smax.u32 s9, $0x1;
	s9 =	sadd.s32 s11, s30;
	s11 =	sor.u32 $0x1C01, s31  }
0xb: {  	s8 =	sadd.s32 s8, s4;
	s4 =	sadd.s32 s7, s2;
	s7 =	simm.s32 $0x2718  }
0xc: {  	v0 =	vimm.f32 $1.000000000e+00;
	v1 =	vimm.f32 $0.0e+00;
	s5 =	sadd.s32 $0x1200, s8;
	s8 =	simm.s32 $0x1;
	s12 =	sshrl.u32 s4, $0x3  }
.LBB2_1:
0xd: {  	s14 =	simm.s32 $0x40;
	s15 =	simm.s32 $0x0  }
.LBB2_2:
0xe: {  	p0 =	sne.s32 s14, $0x4E00;
	[tilespmem:s15+$0x1388] =	vst v0;
	s15 =	smov.u32 s14;
	s14 =	sadd.s32 $0x40, s14  }
.Ltmp0:
0xf: {  	(pc) =	sbr.rel @p0 .LBB2_2-.Ltmp0, $2  }
0x10: {  	_ =	sdelay $0x2  }
0x11: {  	s15 =	sshra.s32 s15, $0x2  }
0x12: {  	[tilespmem:s15+$0x1388] =	vst v0  }
0x13: {  	[tilespmem:$0x2718] =	vst v1  }
0x14: {  	[tilespmem:$0x2728] =	vst v1  }
0x15: {  	[tilespmem:$0x2738] =	vst v1  }
0x16: {  	[tilespmem:$0x2748] =	vst v1  }
0x17: {  	[tilespmem:$0x2758] =	vst v1  }
0x18: {  	[tilespmem:$0x2768] =	vst v1  }
0x19: {  	[tilespmem:$0x2778] =	vst v1  }
0x1a: {  	[tilespmem:$0x2788] =	vst v1  }
0x1b: {  	[tilespmem:$0x2798] =	vst v1  }
0x1c: {  	[tilespmem:$0x27A8] =	vst v1  }
0x1d: {  	[tilespmem:$0x27B8] =	vst v1  }
0x1e: {  	[tilespmem:$0x27C8] =	vst v1  }
0x1f: {  	[tilespmem:$0x27D8] =	vst v1  }
0x20: {  	[tilespmem:$0x27E8] =	vst v1  }
0x21: {  	[tilespmem:$0x27F8] =	vst v1  }
0x22: {  	[tilespmem:$0x2808] =	vst v1  }
0x23: {  	[tilespmem:$0x2818] =	vst v1  }
0x24: {  	[tilespmem:$0x2828] =	vst v1  }
0x25: {  	[tilespmem:$0x2838] =	vst v1  }
0x26: {  	[tilespmem:$0x2848] =	vst v1  }
0x27: {  	[tilespmem:$0x2858] =	vst v1  }
0x28: {  	[tilespmem:$0x2868] =	vst v1  }
0x29: {  	[tilespmem:$0x2878] =	vst v1  }
0x2a: {  	[tilespmem:$0x2888] =	vst v1  }
0x2b: {  	[tilespmem:$0x2898] =	vst v1  }
0x2c: {  	[tilespmem:$0x28A8] =	vst v1  }
0x2d: {  	[tilespmem:$0x28B8] =	vst v1  }
0x2e: {  	[tilespmem:$0x28C8] =	vst v1  }
0x2f: {  	[tilespmem:$0x28D8] =	vst v1  }
0x30: {  	[tilespmem:$0x28E8] =	vst v1  }
0x31: {  	[tilespmem:$0x28F8] =	vst v1  }
0x32: {  	[tilespmem:$0x2908] =	vst v1  }
0x33: {  	[tilespmem:$0x2918] =	vst v1  }
0x34: {  	[tilespmem:$0x2928] =	vst v1  }
0x35: {  	[tilespmem:$0x2938] =	vst v1  }
0x36: {  	[tilespmem:$0x2948] =	vst v1  }
0x37: {  	[tilespmem:$0x2958] =	vst v1  }
0x38: {  	[tilespmem:$0x2968] =	vst v1  }
0x39: {  	[tilespmem:$0x2978] =	vst v1  }
0x3a: {  	[tilespmem:$0x2988] =	vst v1  }
0x3b: {  	[spmem:s4] =	stream.linear.scatter [tilespmem:s7], [sflag:$0x1], $0x280, $0x38;
	[tilespmem:$0x2C18] =	vst v63  }
0x3c: {  	_ =	swait.ge [sflag:s8], $0x280  }
0x3d: {  	[sflag:s8] =	ssyncset.done $0x0  }
0x3e: {  	[sflag:s8] =	ssyncadd.s32 $0xFFFFFD80  }
0x3f: {  	[bflag:$0x0] =	sbarrier.arrive $0xFFFF  }
0x40: {  	[tilespmem:s3], [sflag:$0x1] =	stream.linear.gather [hbm4b:s9+s3], $0x1388, $0x38;
	[tilespmem:$0x2C18] =	vst v63  }
0x41: {  	_ =	swait.ge [sflag:s8], $0x1388  }
0x42: {  	[sflag:s8] =	ssyncset.done $0x0  }
0x43: {  	[sflag:s8] =	ssyncadd.s32 $0xFFFFEC78  }
0x44: {  	[spmem:s2] =	stream.indirect.scatter.add.f32 [tilespmem:s10], [sflag:$0x1], $0x1, s3, s10, $0xb8;
	[tilespmem:$0x2C18] =	vst v63  }
0x45: {  	_ =	swait.ge [sflag:s8], $0x1388  }
0x46: {  	s13 =	sadd.s32 $0x1, s13;
	[sflag:s8] =	ssyncset.done $0x0  }
0x47: {  	p0 =	sne.s32 s13, s6;
	[sflag:s8] =	ssyncadd.s32 $0xFFFFEC78  }
.Ltmp1:
0x48: {  	[bflag:$0x0] =	sbarrier.arrive $0xFFFF;
	(pc) =	sbr.rel @p0 .LBB2_1-.Ltmp1, $4  }
0x49: {  	[hbm:s5], [sflag:s11] =	dma.local [spmem:s12], $0x50  }
0x4a: {  	_ =	swait.ge [sflag:s8], $0x50  }
0x4b: {  	[sflag:s8] =	ssyncset.done $0x0  }
0x4c: {  	[sflag:s8] =	ssyncadd.s32 $0xFFFFFFB0  }
0x4d: {  	_ =	sfence.sel $0x180000  }
0x4e: {  	[bflag:$0x0] =	sbarrier.arrive $0xFFFF  }
0x4f: {  	p0 =	sne.s32 s0, $0x0;
	_ =	strace $0x90000047  }
0x50: {  	s0 =	sadd.s32 @!p0 $0x100000, s1;
	[bflag:$0x2] =	sbarrier.arrive $0xFFFF  }
0x51: {  	[sflag:s0] =	ssyncadd.tile.s32 @!p0 $0x1;
	_ =	shalt  }
.Lfunc_end2:
_tile_overlayer_lowered:
.L_overlay_start_2:
0x52: {  	(tag) =	ssettag $0x2  }
0x53: {  	s0 =	rddreg [dreg:$0x0];
	s2 =	stileid.u32  }
0x54: {  	s1 =	rddreg [dreg:$0x1];
	p0 =	sne.s32 s2, $0x0  }
0x55: {  	s3 =	rddreg [dreg:$0x2];
	[bflag:$0x3] =	sbarrier.arrive $0xFFFF;
	s2 =	simm.s32 @!p0 $0x1C01  }
0x56: {  	[timem:s3], [sflag:s2] =	dma.local @!p0 [hbm:s0], s1  }
0x57: {  	s0 =	simm.s32 @!p0 $0x1  }
0x58: {  	_ =	swait.ge @!p0 [sflag:s0], s1  }
0x59: {  	s1 =	ssub.s32 @!p0 $0x0, s1;
	[sflag:s0] =	ssyncset.done @!p0 $0x0  }
0x5a: {  	[sflag:s0] =	ssyncadd.s32 @!p0 s1  }
0x5b: {  	[bflag:$0x3] =	sbarrier.arrive $0xFFFF  }
0x5c: {  	_ =	shalt  }

</sc_bundles>
